<compile_context>
chip_gen: v7x
topology: tpu7x:2x2x1
jax: 0.10.2.dev20260603
libtpu: 0.0.44.dev20260713+nightly
codegen_flags: <defaults>
</compile_context>

<pallas_src>
import functools

import jax
import jax.numpy as jnp
from jax import lax
from jax.experimental import pallas as pl
from jax.experimental.pallas import tpu as pltpu
from jax.experimental.pallas import tpu_sc as plsc

VOCAB = 256
LANES = 16


def kernel(sents, lengths, forgetting_factor):
    B, S, W = sents.shape
    N = B * S
    NC, NS = 2, 16
    NW = NC * NS
    tok_per_w = N // NW
    G = tok_per_w // LANES

    sents_t = jnp.transpose(sents, (2, 0, 1))
    alpha_1 = forgetting_factor.astype(jnp.float32).reshape(1)

    mesh = plsc.VectorSubcoreMesh(core_axis_name="c", subcore_axis_name="s")

    @functools.partial(
        pl.kernel,
        mesh=mesh,
        out_type=(jax.ShapeDtypeStruct((B, S, VOCAB), jnp.float32),
                  jax.ShapeDtypeStruct((B,), jnp.int32)),
        compiler_params=pltpu.CompilerParams(needs_layout_passes=False),
        scratch_types=[
            pltpu.VMEM((W, tok_per_w), jnp.int32),
            pltpu.VMEM((LANES,), jnp.float32),
            pltpu.VMEM((B,), jnp.int32),
            pltpu.VMEM((4, LANES, VOCAB), jnp.float32),
            pltpu.SemaphoreType.DMA,
        ],
    )
    def fofe(sents_hbm, alpha_hbm, len_hbm, out_hbm, len_out_hbm,
             chars_v, alpha_v, len_v, acc_v, sem):
        wid = lax.axis_index("s") * NC + lax.axis_index("c")
        batch = wid // (NW // B)
        s_base = (wid % (NW // B)) * tok_per_w

        pltpu.sync_copy(
            sents_hbm.at[:, batch, pl.ds(s_base, tok_per_w)], chars_v)
        pltpu.sync_copy(alpha_hbm, alpha_v.at[pl.ds(0, 1)])

        @pl.when(wid == 0)
        def _pass_lengths():
            pltpu.sync_copy(len_hbm, len_v)
            pltpu.sync_copy(len_v, len_out_hbm)

        alpha = jnp.full((LANES,), alpha_v[...][0], jnp.float32)
        lane = lax.iota(jnp.int32, 16)
        zeros16 = jnp.zeros((LANES,), jnp.float32)
        ones16 = jnp.ones((LANES,), jnp.float32)

        def zero_body(k, _):
            for p in range(4):
                for r in range(LANES):
                    acc_v[p, r, pl.ds(k * LANES, LANES)] = zeros16
            return _
        lax.fori_loop(0, VOCAB // LANES, zero_body, None)

        def gather_chars(g):
            tok = lane + g * LANES
            return [plsc.load_gather(
                        chars_v, [jnp.full((LANES,), w, jnp.int32), tok])
                    for w in range(W - 1, -1, -1)]

        def group_body(g, _):
            b = jnp.bitwise_and(g, 3)
            par = jnp.full((LANES,), 0, jnp.int32) + b

            @pl.when(g >= 4)
            def _wait_and_undo():
                pltpu.make_async_copy(
                    acc_v.at[b],
                    out_hbm.at[batch, pl.ds(s_base, LANES)], sem).wait()
                for c in gather_chars(g - 4):
                    plsc.store_scatter(acc_v, [par, lane, c], zeros16)

            cs = gather_chars(g)
            fs = [jnp.where(c != 0, alpha, ones16) for c in cs]
            p = ones16
            for c, f in zip(cs, fs):
                plsc.addupdate_scatter(acc_v, [par, lane, c], p, mask=c != 0)
                p = p * f

            pltpu.async_copy(
                acc_v.at[b],
                out_hbm.at[batch, pl.ds(s_base + g * LANES, LANES)], sem)
            return _

        lax.fori_loop(0, G, group_body, None)

        for _ in range(4):
            pltpu.make_async_copy(
                acc_v.at[0],
                out_hbm.at[batch, pl.ds(s_base, LANES)], sem).wait()

    out, lengths_out = fofe(sents_t, alpha_1, lengths)
    return (out, lengths_out)

# --- scband reference (transcript-rebuilt; emitter-appended) ---
"""Pipeline reference for scband-fofe-encoding-19000935317529 (READ-ONLY COPY).

The authoritative reference and input builder live on the scoring server;
editing this copy changes nothing except your own understanding.
"""

import jax, jax.numpy as jnp
import numpy as np

VOCAB_SIZE = 256
B, S, W = 16, 512, 20


def setup_inputs(seed: int = 0) -> dict:
    key = jax.random.key(seed)
    k1, k2 = jax.random.split(key)
    sents = jax.random.randint(k1, (B, S, W), 0, VOCAB_SIZE, dtype=jnp.int32)
    lengths = jax.random.randint(k2, (B,), 1, S + 1, dtype=jnp.int32)
    forgetting_factor = jnp.array(0.5, dtype=jnp.float32)
    return {"sents": sents, "lengths": lengths, "forgetting_factor": forgetting_factor}


def reference(sents, lengths, forgetting_factor):
    # FOFE: for each word, z = alpha * z + onehot(char), updated ONLY for nonzero char ids.
    # Closed form: z = sum_k [char_k != 0] * alpha^(n_after(k)) * onehot(char_k),
    # where n_after(k) = number of nonzero chars strictly after position k.
    mask = (sents != 0).astype(jnp.float32)  # [B, S, W]
    # reverse exclusive cumulative count of nonzero chars
    n_after = jnp.flip(jnp.cumsum(jnp.flip(mask, axis=-1), axis=-1), axis=-1) - mask
    coeff = mask * jnp.power(forgetting_factor, n_after)  # [B, S, W]
    b_idx = jnp.arange(B)[:, None, None]
    s_idx = jnp.arange(S)[None, :, None]
    samples_encoded = jnp.zeros((B, S, VOCAB_SIZE), dtype=jnp.float32).at[
        b_idx, s_idx, sents
    ].add(coeff)
    return (samples_encoded, lengths)

if __name__ == "__main__":
    import jax
    _d = setup_inputs()
    print(jax.jit(kernel)(*tuple(_d.values())))

</pallas_src>

<mosaic_0001>
#map = affine_map<(d0, d1) -> (0, 0, 0)>
#map1 = affine_map<(d0, d1) -> (0)>
module attributes {stable_mosaic.version = 14 : i64} {
  func.func @fofe(%arg0: i32, %arg1: i32, %arg2: memref<20x16x512xi32, #tpu.memory_space<hbm>>, %arg3: memref<1xf32, #tpu.memory_space<hbm>>, %arg4: memref<16xi32, #tpu.memory_space<hbm>>, %arg5: memref<16x512x256xf32, #tpu.memory_space<hbm>>, %arg6: memref<16xi32, #tpu.memory_space<hbm>>, %arg7: memref<20x256xi32, #tpu.memory_space<vmem>>, %arg8: memref<16xf32, #tpu.memory_space<vmem>>, %arg9: memref<16xi32, #tpu.memory_space<vmem>>, %arg10: memref<4x16x256xf32, #tpu.memory_space<vmem>>, %arg11: memref<!tpu.dma_semaphore, #tpu.memory_space<semaphore_mem>>) attributes {dimension_semantics = [#tpu.dimension_semantics<core_parallel>, #tpu.dimension_semantics<subcore_parallel>], iteration_bounds = array<i64: 2, 16>, scalar_prefetch = 0 : i64, scratch_operands = 5 : i64, tpu.core_type = #tpu.core_type<sc_vector_subcore>, window_params = [{transform_indices = #map}, {transform_indices = #map1}, {transform_indices = #map1}, {transform_indices = #map}, {transform_indices = #map1}]} {
    %mul3A = arith.constant 2 : i32
    %mul3A_0 = arith.muli %arg1, %mul3A : i32
    %add3A = arith.addi %mul3A_0, %arg0 : i32
    %jit3A = arith.constant 2 : i32
    %div3A = arith.divsi %add3A, %jit3A : i32
    %sign3A = arith.constant 0 : i32
    %sign3A_1 = arith.cmpi sgt, %add3A, %sign3A : i32
    %sign3A_2 = arith.extui %sign3A_1 : i1 to i32
    %sign3A_3 = arith.constant 0 : i32
    %sign3A_4 = arith.cmpi slt, %add3A, %sign3A_3 : i32
    %sign3A_5 = arith.extui %sign3A_4 : i1 to i32
    %sign3A_6 = arith.subi %sign3A_2, %sign3A_5 : i32
    %sign3A_7 = arith.constant 0 : i32
    %sign3A_8 = arith.cmpi sgt, %jit3A, %sign3A_7 : i32
    %sign3A_9 = arith.extui %sign3A_8 : i1 to i32
    %sign3A_10 = arith.constant 0 : i32
    %sign3A_11 = arith.cmpi slt, %jit3A, %sign3A_10 : i32
    %sign3A_12 = arith.extui %sign3A_11 : i1 to i32
    %sign3A_13 = arith.subi %sign3A_9, %sign3A_12 : i32
    %ne3A = arith.cmpi ne, %sign3A_6, %sign3A_13 : i32
    %rem3A = arith.remsi %add3A, %jit3A : i32
    %ne3A_14 = arith.constant 0 : i32
    %ne3A_15 = arith.cmpi ne, %rem3A, %ne3A_14 : i32
    %and3A = arith.andi %ne3A, %ne3A_15 : i1
    %sub3A = arith.constant 1 : i32
    %sub3A_16 = arith.subi %div3A, %sub3A : i32
    %select_n3A = arith.select %and3A, %sub3A_16, %div3A : i32
    %jit3A_17 = arith.constant 2 : i32
    %eq3A = arith.constant 0 : i32
    %eq3A_18 = arith.cmpi eq, %jit3A_17, %eq3A : i32
    %jit3A_19 = arith.constant 1 : i32
    %select_n3A_20 = arith.select %eq3A_18, %jit3A_19, %jit3A_17 : i32
    %rem3A_21 = arith.remsi %add3A, %select_n3A_20 : i32
    %ne3A_22 = arith.constant 0 : i32
    %ne3A_23 = arith.cmpi ne, %rem3A_21, %ne3A_22 : i32
    %lt3A = arith.constant 0 : i32
    %lt3A_24 = arith.cmpi slt, %rem3A_21, %lt3A : i32
    %lt3A_25 = arith.constant 0 : i32
    %lt3A_26 = arith.cmpi slt, %select_n3A_20, %lt3A_25 : i32
    %ne3A_27 = arith.xori %lt3A_24, %lt3A_26 : i1
    %and3A_28 = arith.andi %ne3A_27, %ne3A_23 : i1
    %add3A_29 = arith.addi %rem3A_21, %select_n3A_20 : i32
    %select_n3A_30 = arith.select %and3A_28, %add3A_29, %rem3A_21 : i32
    %mul3A_31 = arith.constant 256 : i32
    %mul3A_32 = arith.muli %select_n3A_30, %mul3A_31 : i32
    "tpu.region"() ({
      %run_scoped3A = tpu.sem_alloc : memref<!tpu.dma_semaphore, #tpu.memory_space<semaphore_mem>>
      %dma_start3A = arith.constant 0 : i32
      %dma_start3A_109 = tpu.memref_slice %arg2[%dma_start3A, %select_n3A, %mul3A_32] : memref<20x16x512xi32, #tpu.memory_space<hbm>> -> memref<20x1x256xi32, #tpu.memory_space<hbm>>
      %dma_start3A_110 = tpu.memref_squeeze %dma_start3A_109 : memref<20x1x256xi32, #tpu.memory_space<hbm>> -> memref<20x256xi32, #tpu.memory_space<hbm>>
      %dma_start3A_111 = arith.constant 0 : i32
      %dma_start3A_112 = tpu.memref_slice %arg2[%dma_start3A_111, %select_n3A, %mul3A_32] : memref<20x16x512xi32, #tpu.memory_space<hbm>> -> memref<20x1x256xi32, #tpu.memory_space<hbm>>
      %dma_start3A_113 = tpu.memref_squeeze %dma_start3A_112 : memref<20x1x256xi32, #tpu.memory_space<hbm>> -> memref<20x256xi32, #tpu.memory_space<hbm>>
      tpu.enqueue_dma source(%dma_start3A_113 : memref<20x256xi32, #tpu.memory_space<hbm>>) target(%arg7 : memref<20x256xi32, #tpu.memory_space<vmem>>) target_semaphore(%run_scoped3A : memref<!tpu.dma_semaphore, #tpu.memory_space<semaphore_mem>>)
      %dma_wait3A_114 = arith.constant 0 : i32
      %dma_wait3A_115 = tpu.memref_slice %arg2[%dma_wait3A_114, %select_n3A, %mul3A_32] : memref<20x16x512xi32, #tpu.memory_space<hbm>> -> memref<20x1x256xi32, #tpu.memory_space<hbm>>
      %dma_wait3A_116 = tpu.memref_squeeze %dma_wait3A_115 : memref<20x1x256xi32, #tpu.memory_space<hbm>> -> memref<20x256xi32, #tpu.memory_space<hbm>>
      %dma_wait3A_117 = arith.constant 0 : i32
      %dma_wait3A_118 = tpu.memref_slice %arg2[%dma_wait3A_117, %select_n3A, %mul3A_32] : memref<20x16x512xi32, #tpu.memory_space<hbm>> -> memref<20x1x256xi32, #tpu.memory_space<hbm>>
      %dma_wait3A_119 = tpu.memref_squeeze %dma_wait3A_118 : memref<20x1x256xi32, #tpu.memory_space<hbm>> -> memref<20x256xi32, #tpu.memory_space<hbm>>
      tpu.wait_dma2 semaphore(%run_scoped3A : memref<!tpu.dma_semaphore, #tpu.memory_space<semaphore_mem>>) src(%dma_wait3A_119 : memref<20x256xi32, #tpu.memory_space<hbm>>) dst(%arg7 : memref<20x256xi32, #tpu.memory_space<vmem>>)
      tpu.yield
    }) : () -> ()
    "tpu.region"() ({
      %run_scoped3A = tpu.sem_alloc : memref<!tpu.dma_semaphore, #tpu.memory_space<semaphore_mem>>
      %dma_start3A = arith.constant 0 : i32
      %dma_start3A_109 = tpu.memref_slice %arg8[%dma_start3A] : memref<16xf32, #tpu.memory_space<vmem>> -> memref<1xf32, #tpu.memory_space<vmem>>
      %dma_start3A_110 = arith.constant 0 : i32
      %dma_start3A_111 = tpu.memref_slice %arg8[%dma_start3A_110] : memref<16xf32, #tpu.memory_space<vmem>> -> memref<1xf32, #tpu.memory_space<vmem>>
      tpu.enqueue_dma source(%arg3 : memref<1xf32, #tpu.memory_space<hbm>>) target(%dma_start3A_111 : memref<1xf32, #tpu.memory_space<vmem>>) target_semaphore(%run_scoped3A : memref<!tpu.dma_semaphore, #tpu.memory_space<semaphore_mem>>)
      %dma_wait3A_112 = arith.constant 0 : i32
      %dma_wait3A_113 = tpu.memref_slice %arg8[%dma_wait3A_112] : memref<16xf32, #tpu.memory_space<vmem>> -> memref<1xf32, #tpu.memory_space<vmem>>
      %dma_wait3A_114 = arith.constant 0 : i32
      %dma_wait3A_115 = tpu.memref_slice %arg8[%dma_wait3A_114] : memref<16xf32, #tpu.memory_space<vmem>> -> memref<1xf32, #tpu.memory_space<vmem>>
      tpu.wait_dma2 semaphore(%run_scoped3A : memref<!tpu.dma_semaphore, #tpu.memory_space<semaphore_mem>>) src(%arg3 : memref<1xf32, #tpu.memory_space<hbm>>) dst(%dma_wait3A_115 : memref<1xf32, #tpu.memory_space<vmem>>)
      tpu.yield
    }) : () -> ()
    %eq3A_33 = arith.constant 0 : i32
    %eq3A_34 = arith.cmpi eq, %add3A, %eq3A_33 : i32
    %convert_element_type3A = arith.extui %eq3A_34 : i1 to i32
    %cond3A = arith.constant 0 : i32
    %cond3A_35 = arith.cmpi ne, %convert_element_type3A, %cond3A : i32
    scf.if %cond3A_35 {
      "tpu.region"() ({
        %run_scoped3A = tpu.sem_alloc : memref<!tpu.dma_semaphore, #tpu.memory_space<semaphore_mem>>
        tpu.enqueue_dma source(%arg4 : memref<16xi32, #tpu.memory_space<hbm>>) target(%arg9 : memref<16xi32, #tpu.memory_space<vmem>>) target_semaphore(%run_scoped3A : memref<!tpu.dma_semaphore, #tpu.memory_space<semaphore_mem>>)
        tpu.wait_dma2 semaphore(%run_scoped3A : memref<!tpu.dma_semaphore, #tpu.memory_space<semaphore_mem>>) src(%arg4 : memref<16xi32, #tpu.memory_space<hbm>>) dst(%arg9 : memref<16xi32, #tpu.memory_space<vmem>>)
        tpu.yield
      }) : () -> ()
      "tpu.region"() ({
        %run_scoped3A = tpu.sem_alloc : memref<!tpu.dma_semaphore, #tpu.memory_space<semaphore_mem>>
        tpu.enqueue_dma source(%arg9 : memref<16xi32, #tpu.memory_space<vmem>>) target(%arg6 : memref<16xi32, #tpu.memory_space<hbm>>) target_semaphore(%run_scoped3A : memref<!tpu.dma_semaphore, #tpu.memory_space<semaphore_mem>>)
        tpu.wait_dma2 semaphore(%run_scoped3A : memref<!tpu.dma_semaphore, #tpu.memory_space<semaphore_mem>>) src(%arg9 : memref<16xi32, #tpu.memory_space<vmem>>) dst(%arg6 : memref<16xi32, #tpu.memory_space<hbm>>)
        tpu.yield
      }) : () -> ()
    } else {
    }
    %get3A = arith.constant 0 : index
    %get3A_36 = tpu.vector_load %arg8[%get3A] {strides = array<i32>} : memref<16xf32, #tpu.memory_space<vmem>>, vector<16xf32>,
    %slice3A = vector.extract_strided_slice %get3A_36 {offsets = [0], sizes = [1], strides = [1]} : vector<16xf32> to vector<1xf32>
    %squeeze3A = vector.extract %slice3A[0] : f32 from vector<1xf32>
    %broadcast_in_dim3A = vector.broadcast %squeeze3A : f32 to vector<16xf32>
    %iota3A = tpu.iota {dimensions = array<i32: 0>} : vector<16xi32>
    %broadcast_in_dim3A_37 = arith.constant 0.000000e+00 : f32
    %broadcast_in_dim3A_38 = vector.broadcast %broadcast_in_dim3A_37 : f32 to vector<16xf32>
    %broadcast_in_dim3A_39 = arith.constant 1.000000e+00 : f32
    %broadcast_in_dim3A_40 = vector.broadcast %broadcast_in_dim3A_39 : f32 to vector<16xf32>
    %scan3A = arith.constant 0 : i32
    %scan3A_41 = arith.constant 16 : i32
    %scan3A_42 = arith.addi %scan3A, %scan3A_41 : i32
    %scan3A_43 = arith.constant 1 : i32
    scf.for %scan3A_109 = %scan3A to %scan3A_42 step %scan3A_43  : i32 {
      %mul3A_110 = arith.constant 16 : i32
      %mul3A_111 = arith.muli %scan3A_109, %mul3A_110 : i32
      %swap3A = arith.constant 0 : i32
      %swap3A_112 = arith.constant 0 : i32
      %swap3A_113 = arith.index_cast %swap3A : i32 to index
      %swap3A_114 = arith.index_cast %swap3A_112 : i32 to index
      %swap3A_115 = arith.index_cast %mul3A_111 : i32 to index
      %swap3A_116 = tpu.vector_load %arg10[%swap3A_113, %swap3A_114, %swap3A_115] {strides = array<i32>} : memref<4x16x256xf32, #tpu.memory_space<vmem>>, vector<16xf32>,
      tpu.vector_store %arg10[%swap3A_113, %swap3A_114, %swap3A_115], %broadcast_in_dim3A_38 {strides = array<i32>} : memref<4x16x256xf32, #tpu.memory_space<vmem>>, vector<16xf32>,
      %mul3A_117 = arith.constant 16 : i32
      %mul3A_118 = arith.muli %scan3A_109, %mul3A_117 : i32
      %swap3A_119 = arith.constant 0 : i32
      %swap3A_120 = arith.constant 1 : i32
      %swap3A_121 = arith.index_cast %swap3A_119 : i32 to index
      %swap3A_122 = arith.index_cast %swap3A_120 : i32 to index
      %swap3A_123 = arith.index_cast %mul3A_118 : i32 to index
      %swap3A_124 = tpu.vector_load %arg10[%swap3A_121, %swap3A_122, %swap3A_123] {strides = array<i32>} : memref<4x16x256xf32, #tpu.memory_space<vmem>>, vector<16xf32>,
      tpu.vector_store %arg10[%swap3A_121, %swap3A_122, %swap3A_123], %broadcast_in_dim3A_38 {strides = array<i32>} : memref<4x16x256xf32, #tpu.memory_space<vmem>>, vector<16xf32>,
      %mul3A_125 = arith.constant 16 : i32
      %mul3A_126 = arith.muli %scan3A_109, %mul3A_125 : i32
      %swap3A_127 = arith.constant 0 : i32
      %swap3A_128 = arith.constant 2 : i32
      %swap3A_129 = arith.index_cast %swap3A_127 : i32 to index
      %swap3A_130 = arith.index_cast %swap3A_128 : i32 to index
      %swap3A_131 = arith.index_cast %mul3A_126 : i32 to index
      %swap3A_132 = tpu.vector_load %arg10[%swap3A_129, %swap3A_130, %swap3A_131] {strides = array<i32>} : memref<4x16x256xf32, #tpu.memory_space<vmem>>, vector<16xf32>,
      tpu.vector_store %arg10[%swap3A_129, %swap3A_130, %swap3A_131], %broadcast_in_dim3A_38 {strides = array<i32>} : memref<4x16x256xf32, #tpu.memory_space<vmem>>, vector<16xf32>,
      %mul3A_133 = arith.constant 16 : i32
      %mul3A_134 = arith.muli %scan3A_109, %mul3A_133 : i32
      %swap3A_135 = arith.constant 0 : i32
      %swap3A_136 = arith.constant 3 : i32
      %swap3A_137 = arith.index_cast %swap3A_135 : i32 to index
      %swap3A_138 = arith.index_cast %swap3A_136 : i32 to index
      %swap3A_139 = arith.index_cast %mul3A_134 : i32 to index
      %swap3A_140 = tpu.vector_load %arg10[%swap3A_137, %swap3A_138, %swap3A_139] {strides = array<i32>} : memref<4x16x256xf32, #tpu.memory_space<vmem>>, vector<16xf32>,
      tpu.vector_store %arg10[%swap3A_137, %swap3A_138, %swap3A_139], %broadcast_in_dim3A_38 {strides = array<i32>} : memref<4x16x256xf32, #tpu.memory_space<vmem>>, vector<16xf32>,
      %mul3A_141 = arith.constant 16 : i32
      %mul3A_142 = arith.muli %scan3A_109, %mul3A_141 : i32
      %swap3A_143 = arith.constant 0 : i32
      %swap3A_144 = arith.constant 4 : i32
      %swap3A_145 = arith.index_cast %swap3A_143 : i32 to index
      %swap3A_146 = arith.index_cast %swap3A_144 : i32 to index
      %swap3A_147 = arith.index_cast %mul3A_142 : i32 to index
      %swap3A_148 = tpu.vector_load %arg10[%swap3A_145, %swap3A_146, %swap3A_147] {strides = array<i32>} : memref<4x16x256xf32, #tpu.memory_space<vmem>>, vector<16xf32>,
      tpu.vector_store %arg10[%swap3A_145, %swap3A_146, %swap3A_147], %broadcast_in_dim3A_38 {strides = array<i32>} : memref<4x16x256xf32, #tpu.memory_space<vmem>>, vector<16xf32>,
      %mul3A_149 = arith.constant 16 : i32
      %mul3A_150 = arith.muli %scan3A_109, %mul3A_149 : i32
      %swap3A_151 = arith.constant 0 : i32
      %swap3A_152 = arith.constant 5 : i32
      %swap3A_153 = arith.index_cast %swap3A_151 : i32 to index
      %swap3A_154 = arith.index_cast %swap3A_152 : i32 to index
      %swap3A_155 = arith.index_cast %mul3A_150 : i32 to index
      %swap3A_156 = tpu.vector_load %arg10[%swap3A_153, %swap3A_154, %swap3A_155] {strides = array<i32>} : memref<4x16x256xf32, #tpu.memory_space<vmem>>, vector<16xf32>,
      tpu.vector_store %arg10[%swap3A_153, %swap3A_154, %swap3A_155], %broadcast_in_dim3A_38 {strides = array<i32>} : memref<4x16x256xf32, #tpu.memory_space<vmem>>, vector<16xf32>,
      %mul3A_157 = arith.constant 16 : i32
      %mul3A_158 = arith.muli %scan3A_109, %mul3A_157 : i32
      %swap3A_159 = arith.constant 0 : i32
      %swap3A_160 = arith.constant 6 : i32
      %swap3A_161 = arith.index_cast %swap3A_159 : i32 to index
      %swap3A_162 = arith.index_cast %swap3A_160 : i32 to index
      %swap3A_163 = arith.index_cast %mul3A_158 : i32 to index
      %swap3A_164 = tpu.vector_load %arg10[%swap3A_161, %swap3A_162, %swap3A_163] {strides = array<i32>} : memref<4x16x256xf32, #tpu.memory_space<vmem>>, vector<16xf32>,
      tpu.vector_store %arg10[%swap3A_161, %swap3A_162, %swap3A_163], %broadcast_in_dim3A_38 {strides = array<i32>} : memref<4x16x256xf32, #tpu.memory_space<vmem>>, vector<16xf32>,
      %mul3A_165 = arith.constant 16 : i32
      %mul3A_166 = arith.muli %scan3A_109, %mul3A_165 : i32
      %swap3A_167 = arith.constant 0 : i32
      %swap3A_168 = arith.constant 7 : i32
      %swap3A_169 = arith.index_cast %swap3A_167 : i32 to index
      %swap3A_170 = arith.index_cast %swap3A_168 : i32 to index
      %swap3A_171 = arith.index_cast %mul3A_166 : i32 to index
      %swap3A_172 = tpu.vector_load %arg10[%swap3A_169, %swap3A_170, %swap3A_171] {strides = array<i32>} : memref<4x16x256xf32, #tpu.memory_space<vmem>>, vector<16xf32>,
      tpu.vector_store %arg10[%swap3A_169, %swap3A_170, %swap3A_171], %broadcast_in_dim3A_38 {strides = array<i32>} : memref<4x16x256xf32, #tpu.memory_space<vmem>>, vector<16xf32>,
      %mul3A_173 = arith.constant 16 : i32
      %mul3A_174 = arith.muli %scan3A_109, %mul3A_173 : i32
      %swap3A_175 = arith.constant 0 : i32
      %swap3A_176 = arith.constant 8 : i32
      %swap3A_177 = arith.index_cast %swap3A_175 : i32 to index
      %swap3A_178 = arith.index_cast %swap3A_176 : i32 to index
      %swap3A_179 = arith.index_cast %mul3A_174 : i32 to index
      %swap3A_180 = tpu.vector_load %arg10[%swap3A_177, %swap3A_178, %swap3A_179] {strides = array<i32>} : memref<4x16x256xf32, #tpu.memory_space<vmem>>, vector<16xf32>,
      tpu.vector_store %arg10[%swap3A_177, %swap3A_178, %swap3A_179], %broadcast_in_dim3A_38 {strides = array<i32>} : memref<4x16x256xf32, #tpu.memory_space<vmem>>, vector<16xf32>,
      %mul3A_181 = arith.constant 16 : i32
      %mul3A_182 = arith.muli %scan3A_109, %mul3A_181 : i32
      %swap3A_183 = arith.constant 0 : i32
      %swap3A_184 = arith.constant 9 : i32
      %swap3A_185 = arith.index_cast %swap3A_183 : i32 to index
      %swap3A_186 = arith.index_cast %swap3A_184 : i32 to index
      %swap3A_187 = arith.index_cast %mul3A_182 : i32 to index
      %swap3A_188 = tpu.vector_load %arg10[%swap3A_185, %swap3A_186, %swap3A_187] {strides = array<i32>} : memref<4x16x256xf32, #tpu.memory_space<vmem>>, vector<16xf32>,
      tpu.vector_store %arg10[%swap3A_185, %swap3A_186, %swap3A_187], %broadcast_in_dim3A_38 {strides = array<i32>} : memref<4x16x256xf32, #tpu.memory_space<vmem>>, vector<16xf32>,
      %mul3A_189 = arith.constant 16 : i32
      %mul3A_190 = arith.muli %scan3A_109, %mul3A_189 : i32
      %swap3A_191 = arith.constant 0 : i32
      %swap3A_192 = arith.constant 10 : i32
      %swap3A_193 = arith.index_cast %swap3A_191 : i32 to index
      %swap3A_194 = arith.index_cast %swap3A_192 : i32 to index
      %swap3A_195 = arith.index_cast %mul3A_190 : i32 to index
      %swap3A_196 = tpu.vector_load %arg10[%swap3A_193, %swap3A_194, %swap3A_195] {strides = array<i32>} : memref<4x16x256xf32, #tpu.memory_space<vmem>>, vector<16xf32>,
      tpu.vector_store %arg10[%swap3A_193, %swap3A_194, %swap3A_195], %broadcast_in_dim3A_38 {strides = array<i32>} : memref<4x16x256xf32, #tpu.memory_space<vmem>>, vector<16xf32>,
      %mul3A_197 = arith.constant 16 : i32
      %mul3A_198 = arith.muli %scan3A_109, %mul3A_197 : i32
      %swap3A_199 = arith.constant 0 : i32
      %swap3A_200 = arith.constant 11 : i32
      %swap3A_201 = arith.index_cast %swap3A_199 : i32 to index
      %swap3A_202 = arith.index_cast %swap3A_200 : i32 to index
      %swap3A_203 = arith.index_cast %mul3A_198 : i32 to index
      %swap3A_204 = tpu.vector_load %arg10[%swap3A_201, %swap3A_202, %swap3A_203] {strides = array<i32>} : memref<4x16x256xf32, #tpu.memory_space<vmem>>, vector<16xf32>,
      tpu.vector_store %arg10[%swap3A_201, %swap3A_202, %swap3A_203], %broadcast_in_dim3A_38 {strides = array<i32>} : memref<4x16x256xf32, #tpu.memory_space<vmem>>, vector<16xf32>,
      %mul3A_205 = arith.constant 16 : i32
      %mul3A_206 = arith.muli %scan3A_109, %mul3A_205 : i32
      %swap3A_207 = arith.constant 0 : i32
      %swap3A_208 = arith.constant 12 : i32
      %swap3A_209 = arith.index_cast %swap3A_207 : i32 to index
      %swap3A_210 = arith.index_cast %swap3A_208 : i32 to index
      %swap3A_211 = arith.index_cast %mul3A_206 : i32 to index
      %swap3A_212 = tpu.vector_load %arg10[%swap3A_209, %swap3A_210, %swap3A_211] {strides = array<i32>} : memref<4x16x256xf32, #tpu.memory_space<vmem>>, vector<16xf32>,
      tpu.vector_store %arg10[%swap3A_209, %swap3A_210, %swap3A_211], %broadcast_in_dim3A_38 {strides = array<i32>} : memref<4x16x256xf32, #tpu.memory_space<vmem>>, vector<16xf32>,
      %mul3A_213 = arith.constant 16 : i32
      %mul3A_214 = arith.muli %scan3A_109, %mul3A_213 : i32
      %swap3A_215 = arith.constant 0 : i32
      %swap3A_216 = arith.constant 13 : i32
      %swap3A_217 = arith.index_cast %swap3A_215 : i32 to index
      %swap3A_218 = arith.index_cast %swap3A_216 : i32 to index
      %swap3A_219 = arith.index_cast %mul3A_214 : i32 to index
      %swap3A_220 = tpu.vector_load %arg10[%swap3A_217, %swap3A_218, %swap3A_219] {strides = array<i32>} : memref<4x16x256xf32, #tpu.memory_space<vmem>>, vector<16xf32>,
      tpu.vector_store %arg10[%swap3A_217, %swap3A_218, %swap3A_219], %broadcast_in_dim3A_38 {strides = array<i32>} : memref<4x16x256xf32, #tpu.memory_space<vmem>>, vector<16xf32>,
      %mul3A_221 = arith.constant 16 : i32
      %mul3A_222 = arith.muli %scan3A_109, %mul3A_221 : i32
      %swap3A_223 = arith.constant 0 : i32
      %swap3A_224 = arith.constant 14 : i32
      %swap3A_225 = arith.index_cast %swap3A_223 : i32 to index
      %swap3A_226 = arith.index_cast %swap3A_224 : i32 to index
      %swap3A_227 = arith.index_cast %mul3A_222 : i32 to index
      %swap3A_228 = tpu.vector_load %arg10[%swap3A_225, %swap3A_226, %swap3A_227] {strides = array<i32>} : memref<4x16x256xf32, #tpu.memory_space<vmem>>, vector<16xf32>,
      tpu.vector_store %arg10[%swap3A_225, %swap3A_226, %swap3A_227], %broadcast_in_dim3A_38 {strides = array<i32>} : memref<4x16x256xf32, #tpu.memory_space<vmem>>, vector<16xf32>,
      %mul3A_229 = arith.constant 16 : i32
      %mul3A_230 = arith.muli %scan3A_109, %mul3A_229 : i32
      %swap3A_231 = arith.constant 0 : i32
      %swap3A_232 = arith.constant 15 : i32
      %swap3A_233 = arith.index_cast %swap3A_231 : i32 to index
      %swap3A_234 = arith.index_cast %swap3A_232 : i32 to index
      %swap3A_235 = arith.index_cast %mul3A_230 : i32 to index
      %swap3A_236 = tpu.vector_load %arg10[%swap3A_233, %swap3A_234, %swap3A_235] {strides = array<i32>} : memref<4x16x256xf32, #tpu.memory_space<vmem>>, vector<16xf32>,
      tpu.vector_store %arg10[%swap3A_233, %swap3A_234, %swap3A_235], %broadcast_in_dim3A_38 {strides = array<i32>} : memref<4x16x256xf32, #tpu.memory_space<vmem>>, vector<16xf32>,
      %mul3A_237 = arith.constant 16 : i32
      %mul3A_238 = arith.muli %scan3A_109, %mul3A_237 : i32
      %swap3A_239 = arith.constant 1 : i32
      %swap3A_240 = arith.constant 0 : i32
      %swap3A_241 = arith.index_cast %swap3A_239 : i32 to index
      %swap3A_242 = arith.index_cast %swap3A_240 : i32 to index
      %swap3A_243 = arith.index_cast %mul3A_238 : i32 to index
      %swap3A_244 = tpu.vector_load %arg10[%swap3A_241, %swap3A_242, %swap3A_243] {strides = array<i32>} : memref<4x16x256xf32, #tpu.memory_space<vmem>>, vector<16xf32>,
      tpu.vector_store %arg10[%swap3A_241, %swap3A_242, %swap3A_243], %broadcast_in_dim3A_38 {strides = array<i32>} : memref<4x16x256xf32, #tpu.memory_space<vmem>>, vector<16xf32>,
      %mul3A_245 = arith.constant 16 : i32
      %mul3A_246 = arith.muli %scan3A_109, %mul3A_245 : i32
      %swap3A_247 = arith.constant 1 : i32
      %swap3A_248 = arith.constant 1 : i32
      %swap3A_249 = arith.index_cast %swap3A_247 : i32 to index
      %swap3A_250 = arith.index_cast %swap3A_248 : i32 to index
      %swap3A_251 = arith.index_cast %mul3A_246 : i32 to index
      %swap3A_252 = tpu.vector_load %arg10[%swap3A_249, %swap3A_250, %swap3A_251] {strides = array<i32>} : memref<4x16x256xf32, #tpu.memory_space<vmem>>, vector<16xf32>,
      tpu.vector_store %arg10[%swap3A_249, %swap3A_250, %swap3A_251], %broadcast_in_dim3A_38 {strides = array<i32>} : memref<4x16x256xf32, #tpu.memory_space<vmem>>, vector<16xf32>,
      %mul3A_253 = arith.constant 16 : i32
      %mul3A_254 = arith.muli %scan3A_109, %mul3A_253 : i32
      %swap3A_255 = arith.constant 1 : i32
      %swap3A_256 = arith.constant 2 : i32
      %swap3A_257 = arith.index_cast %swap3A_255 : i32 to index
      %swap3A_258 = arith.index_cast %swap3A_256 : i32 to index
      %swap3A_259 = arith.index_cast %mul3A_254 : i32 to index
      %swap3A_260 = tpu.vector_load %arg10[%swap3A_257, %swap3A_258, %swap3A_259] {strides = array<i32>} : memref<4x16x256xf32, #tpu.memory_space<vmem>>, vector<16xf32>,
      tpu.vector_store %arg10[%swap3A_257, %swap3A_258, %swap3A_259], %broadcast_in_dim3A_38 {strides = array<i32>} : memref<4x16x256xf32, #tpu.memory_space<vmem>>, vector<16xf32>,
      %mul3A_261 = arith.constant 16 : i32
      %mul3A_262 = arith.muli %scan3A_109, %mul3A_261 : i32
      %swap3A_263 = arith.constant 1 : i32
      %swap3A_264 = arith.constant 3 : i32
      %swap3A_265 = arith.index_cast %swap3A_263 : i32 to index
      %swap3A_266 = arith.index_cast %swap3A_264 : i32 to index
      %swap3A_267 = arith.index_cast %mul3A_262 : i32 to index
      %swap3A_268 = tpu.vector_load %arg10[%swap3A_265, %swap3A_266, %swap3A_267] {strides = array<i32>} : memref<4x16x256xf32, #tpu.memory_space<vmem>>, vector<16xf32>,
      tpu.vector_store %arg10[%swap3A_265, %swap3A_266, %swap3A_267], %broadcast_in_dim3A_38 {strides = array<i32>} : memref<4x16x256xf32, #tpu.memory_space<vmem>>, vector<16xf32>,
      %mul3A_269 = arith.constant 16 : i32
      %mul3A_270 = arith.muli %scan3A_109, %mul3A_269 : i32
      %swap3A_271 = arith.constant 1 : i32
      %swap3A_272 = arith.constant 4 : i32
      %swap3A_273 = arith.index_cast %swap3A_271 : i32 to index
      %swap3A_274 = arith.index_cast %swap3A_272 : i32 to index
      %swap3A_275 = arith.index_cast %mul3A_270 : i32 to index
      %swap3A_276 = tpu.vector_load %arg10[%swap3A_273, %swap3A_274, %swap3A_275] {strides = array<i32>} : memref<4x16x256xf32, #tpu.memory_space<vmem>>, vector<16xf32>,
      tpu.vector_store %arg10[%swap3A_273, %swap3A_274, %swap3A_275], %broadcast_in_dim3A_38 {strides = array<i32>} : memref<4x16x256xf32, #tpu.memory_space<vmem>>, vector<16xf32>,
      %mul3A_277 = arith.constant 16 : i32
      %mul3A_278 = arith.muli %scan3A_109, %mul3A_277 : i32
      %swap3A_279 = arith.constant 1 : i32
      %swap3A_280 = arith.constant 5 : i32
      %swap3A_281 = arith.index_cast %swap3A_279 : i32 to index
      %swap3A_282 = arith.index_cast %swap3A_280 : i32 to index
      %swap3A_283 = arith.index_cast %mul3A_278 : i32 to index
      %swap3A_284 = tpu.vector_load %arg10[%swap3A_281, %swap3A_282, %swap3A_283] {strides = array<i32>} : memref<4x16x256xf32, #tpu.memory_space<vmem>>, vector<16xf32>,
      tpu.vector_store %arg10[%swap3A_281, %swap3A_282, %swap3A_283], %broadcast_in_dim3A_38 {strides = array<i32>} : memref<4x16x256xf32, #tpu.memory_space<vmem>>, vector<16xf32>,
      %mul3A_285 = arith.constant 16 : i32
      %mul3A_286 = arith.muli %scan3A_109, %mul3A_285 : i32
      %swap3A_287 = arith.constant 1 : i32
      %swap3A_288 = arith.constant 6 : i32
      %swap3A_289 = arith.index_cast %swap3A_287 : i32 to index
      %swap3A_290 = arith.index_cast %swap3A_288 : i32 to index
      %swap3A_291 = arith.index_cast %mul3A_286 : i32 to index
      %swap3A_292 = tpu.vector_load %arg10[%swap3A_289, %swap3A_290, %swap3A_291] {strides = array<i32>} : memref<4x16x256xf32, #tpu.memory_space<vmem>>, vector<16xf32>,
      tpu.vector_store %arg10[%swap3A_289, %swap3A_290, %swap3A_291], %broadcast_in_dim3A_38 {strides = array<i32>} : memref<4x16x256xf32, #tpu.memory_space<vmem>>, vector<16xf32>,
      %mul3A_293 = arith.constant 16 : i32
      %mul3A_294 = arith.muli %scan3A_109, %mul3A_293 : i32
      %swap3A_295 = arith.constant 1 : i32
      %swap3A_296 = arith.constant 7 : i32
      %swap3A_297 = arith.index_cast %swap3A_295 : i32 to index
      %swap3A_298 = arith.index_cast %swap3A_296 : i32 to index
      %swap3A_299 = arith.index_cast %mul3A_294 : i32 to index
      %swap3A_300 = tpu.vector_load %arg10[%swap3A_297, %swap3A_298, %swap3A_299] {strides = array<i32>} : memref<4x16x256xf32, #tpu.memory_space<vmem>>, vector<16xf32>,
      tpu.vector_store %arg10[%swap3A_297, %swap3A_298, %swap3A_299], %broadcast_in_dim3A_38 {strides = array<i32>} : memref<4x16x256xf32, #tpu.memory_space<vmem>>, vector<16xf32>,
      %mul3A_301 = arith.constant 16 : i32
      %mul3A_302 = arith.muli %scan3A_109, %mul3A_301 : i32
      %swap3A_303 = arith.constant 1 : i32
      %swap3A_304 = arith.constant 8 : i32
      %swap3A_305 = arith.index_cast %swap3A_303 : i32 to index
      %swap3A_306 = arith.index_cast %swap3A_304 : i32 to index
      %swap3A_307 = arith.index_cast %mul3A_302 : i32 to index
      %swap3A_308 = tpu.vector_load %arg10[%swap3A_305, %swap3A_306, %swap3A_307] {strides = array<i32>} : memref<4x16x256xf32, #tpu.memory_space<vmem>>, vector<16xf32>,
      tpu.vector_store %arg10[%swap3A_305, %swap3A_306, %swap3A_307], %broadcast_in_dim3A_38 {strides = array<i32>} : memref<4x16x256xf32, #tpu.memory_space<vmem>>, vector<16xf32>,
      %mul3A_309 = arith.constant 16 : i32
      %mul3A_310 = arith.muli %scan3A_109, %mul3A_309 : i32
      %swap3A_311 = arith.constant 1 : i32
      %swap3A_312 = arith.constant 9 : i32
      %swap3A_313 = arith.index_cast %swap3A_311 : i32 to index
      %swap3A_314 = arith.index_cast %swap3A_312 : i32 to index
      %swap3A_315 = arith.index_cast %mul3A_310 : i32 to index
      %swap3A_316 = tpu.vector_load %arg10[%swap3A_313, %swap3A_314, %swap3A_315] {strides = array<i32>} : memref<4x16x256xf32, #tpu.memory_space<vmem>>, vector<16xf32>,
      tpu.vector_store %arg10[%swap3A_313, %swap3A_314, %swap3A_315], %broadcast_in_dim3A_38 {strides = array<i32>} : memref<4x16x256xf32, #tpu.memory_space<vmem>>, vector<16xf32>,
      %mul3A_317 = arith.constant 16 : i32
      %mul3A_318 = arith.muli %scan3A_109, %mul3A_317 : i32
      %swap3A_319 = arith.constant 1 : i32
      %swap3A_320 = arith.constant 10 : i32
      %swap3A_321 = arith.index_cast %swap3A_319 : i32 to index
      %swap3A_322 = arith.index_cast %swap3A_320 : i32 to index
      %swap3A_323 = arith.index_cast %mul3A_318 : i32 to index
      %swap3A_324 = tpu.vector_load %arg10[%swap3A_321, %swap3A_322, %swap3A_323] {strides = array<i32>} : memref<4x16x256xf32, #tpu.memory_space<vmem>>, vector<16xf32>,
      tpu.vector_store %arg10[%swap3A_321, %swap3A_322, %swap3A_323], %broadcast_in_dim3A_38 {strides = array<i32>} : memref<4x16x256xf32, #tpu.memory_space<vmem>>, vector<16xf32>,
      %mul3A_325 = arith.constant 16 : i32
      %mul3A_326 = arith.muli %scan3A_109, %mul3A_325 : i32
      %swap3A_327 = arith.constant 1 : i32
      %swap3A_328 = arith.constant 11 : i32
      %swap3A_329 = arith.index_cast %swap3A_327 : i32 to index
      %swap3A_330 = arith.index_cast %swap3A_328 : i32 to index
      %swap3A_331 = arith.index_cast %mul3A_326 : i32 to index
      %swap3A_332 = tpu.vector_load %arg10[%swap3A_329, %swap3A_330, %swap3A_331] {strides = array<i32>} : memref<4x16x256xf32, #tpu.memory_space<vmem>>, vector<16xf32>,
      tpu.vector_store %arg10[%swap3A_329, %swap3A_330, %swap3A_331], %broadcast_in_dim3A_38 {strides = array<i32>} : memref<4x16x256xf32, #tpu.memory_space<vmem>>, vector<16xf32>,
      %mul3A_333 = arith.constant 16 : i32
      %mul3A_334 = arith.muli %scan3A_109, %mul3A_333 : i32
      %swap3A_335 = arith.constant 1 : i32
      %swap3A_336 = arith.constant 12 : i32
      %swap3A_337 = arith.index_cast %swap3A_335 : i32 to index
      %swap3A_338 = arith.index_cast %swap3A_336 : i32 to index
      %swap3A_339 = arith.index_cast %mul3A_334 : i32 to index
      %swap3A_340 = tpu.vector_load %arg10[%swap3A_337, %swap3A_338, %swap3A_339] {strides = array<i32>} : memref<4x16x256xf32, #tpu.memory_space<vmem>>, vector<16xf32>,
      tpu.vector_store %arg10[%swap3A_337, %swap3A_338, %swap3A_339], %broadcast_in_dim3A_38 {strides = array<i32>} : memref<4x16x256xf32, #tpu.memory_space<vmem>>, vector<16xf32>,
      %mul3A_341 = arith.constant 16 : i32
      %mul3A_342 = arith.muli %scan3A_109, %mul3A_341 : i32
      %swap3A_343 = arith.constant 1 : i32
      %swap3A_344 = arith.constant 13 : i32
      %swap3A_345 = arith.index_cast %swap3A_343 : i32 to index
      %swap3A_346 = arith.index_cast %swap3A_344 : i32 to index
      %swap3A_347 = arith.index_cast %mul3A_342 : i32 to index
      %swap3A_348 = tpu.vector_load %arg10[%swap3A_345, %swap3A_346, %swap3A_347] {strides = array<i32>} : memref<4x16x256xf32, #tpu.memory_space<vmem>>, vector<16xf32>,
      tpu.vector_store %arg10[%swap3A_345, %swap3A_346, %swap3A_347], %broadcast_in_dim3A_38 {strides = array<i32>} : memref<4x16x256xf32, #tpu.memory_space<vmem>>, vector<16xf32>,
      %mul3A_349 = arith.constant 16 : i32
      %mul3A_350 = arith.muli %scan3A_109, %mul3A_349 : i32
      %swap3A_351 = arith.constant 1 : i32
      %swap3A_352 = arith.constant 14 : i32
      %swap3A_353 = arith.index_cast %swap3A_351 : i32 to index
      %swap3A_354 = arith.index_cast %swap3A_352 : i32 to index
      %swap3A_355 = arith.index_cast %mul3A_350 : i32 to index
      %swap3A_356 = tpu.vector_load %arg10[%swap3A_353, %swap3A_354, %swap3A_355] {strides = array<i32>} : memref<4x16x256xf32, #tpu.memory_space<vmem>>, vector<16xf32>,
      tpu.vector_store %arg10[%swap3A_353, %swap3A_354, %swap3A_355], %broadcast_in_dim3A_38 {strides = array<i32>} : memref<4x16x256xf32, #tpu.memory_space<vmem>>, vector<16xf32>,
      %mul3A_357 = arith.constant 16 : i32
      %mul3A_358 = arith.muli %scan3A_109, %mul3A_357 : i32
      %swap3A_359 = arith.constant 1 : i32
      %swap3A_360 = arith.constant 15 : i32
      %swap3A_361 = arith.index_cast %swap3A_359 : i32 to index
      %swap3A_362 = arith.index_cast %swap3A_360 : i32 to index
      %swap3A_363 = arith.index_cast %mul3A_358 : i32 to index
      %swap3A_364 = tpu.vector_load %arg10[%swap3A_361, %swap3A_362, %swap3A_363] {strides = array<i32>} : memref<4x16x256xf32, #tpu.memory_space<vmem>>, vector<16xf32>,
      tpu.vector_store %arg10[%swap3A_361, %swap3A_362, %swap3A_363], %broadcast_in_dim3A_38 {strides = array<i32>} : memref<4x16x256xf32, #tpu.memory_space<vmem>>, vector<16xf32>,
      %mul3A_365 = arith.constant 16 : i32
      %mul3A_366 = arith.muli %scan3A_109, %mul3A_365 : i32
      %swap3A_367 = arith.constant 2 : i32
      %swap3A_368 = arith.constant 0 : i32
      %swap3A_369 = arith.index_cast %swap3A_367 : i32 to index
      %swap3A_370 = arith.index_cast %swap3A_368 : i32 to index
      %swap3A_371 = arith.index_cast %mul3A_366 : i32 to index
      %swap3A_372 = tpu.vector_load %arg10[%swap3A_369, %swap3A_370, %swap3A_371] {strides = array<i32>} : memref<4x16x256xf32, #tpu.memory_space<vmem>>, vector<16xf32>,
      tpu.vector_store %arg10[%swap3A_369, %swap3A_370, %swap3A_371], %broadcast_in_dim3A_38 {strides = array<i32>} : memref<4x16x256xf32, #tpu.memory_space<vmem>>, vector<16xf32>,
      %mul3A_373 = arith.constant 16 : i32
      %mul3A_374 = arith.muli %scan3A_109, %mul3A_373 : i32
      %swap3A_375 = arith.constant 2 : i32
      %swap3A_376 = arith.constant 1 : i32
      %swap3A_377 = arith.index_cast %swap3A_375 : i32 to index
      %swap3A_378 = arith.index_cast %swap3A_376 : i32 to index
      %swap3A_379 = arith.index_cast %mul3A_374 : i32 to index
      %swap3A_380 = tpu.vector_load %arg10[%swap3A_377, %swap3A_378, %swap3A_379] {strides = array<i32>} : memref<4x16x256xf32, #tpu.memory_space<vmem>>, vector<16xf32>,
      tpu.vector_store %arg10[%swap3A_377, %swap3A_378, %swap3A_379], %broadcast_in_dim3A_38 {strides = array<i32>} : memref<4x16x256xf32, #tpu.memory_space<vmem>>, vector<16xf32>,
      %mul3A_381 = arith.constant 16 : i32
      %mul3A_382 = arith.muli %scan3A_109, %mul3A_381 : i32
      %swap3A_383 = arith.constant 2 : i32
      %swap3A_384 = arith.constant 2 : i32
      %swap3A_385 = arith.index_cast %swap3A_383 : i32 to index
      %swap3A_386 = arith.index_cast %swap3A_384 : i32 to index
      %swap3A_387 = arith.index_cast %mul3A_382 : i32 to index
      %swap3A_388 = tpu.vector_load %arg10[%swap3A_385, %swap3A_386, %swap3A_387] {strides = array<i32>} : memref<4x16x256xf32, #tpu.memory_space<vmem>>, vector<16xf32>,
      tpu.vector_store %arg10[%swap3A_385, %swap3A_386, %swap3A_387], %broadcast_in_dim3A_38 {strides = array<i32>} : memref<4x16x256xf32, #tpu.memory_space<vmem>>, vector<16xf32>,
      %mul3A_389 = arith.constant 16 : i32
      %mul3A_390 = arith.muli %scan3A_109, %mul3A_389 : i32
      %swap3A_391 = arith.constant 2 : i32
      %swap3A_392 = arith.constant 3 : i32
      %swap3A_393 = arith.index_cast %swap3A_391 : i32 to index
      %swap3A_394 = arith.index_cast %swap3A_392 : i32 to index
      %swap3A_395 = arith.index_cast %mul3A_390 : i32 to index
      %swap3A_396 = tpu.vector_load %arg10[%swap3A_393, %swap3A_394, %swap3A_395] {strides = array<i32>} : memref<4x16x256xf32, #tpu.memory_space<vmem>>, vector<16xf32>,
      tpu.vector_store %arg10[%swap3A_393, %swap3A_394, %swap3A_395], %broadcast_in_dim3A_38 {strides = array<i32>} : memref<4x16x256xf32, #tpu.memory_space<vmem>>, vector<16xf32>,
      %mul3A_397 = arith.constant 16 : i32
      %mul3A_398 = arith.muli %scan3A_109, %mul3A_397 : i32
      %swap3A_399 = arith.constant 2 : i32
      %swap3A_400 = arith.constant 4 : i32
      %swap3A_401 = arith.index_cast %swap3A_399 : i32 to index
      %swap3A_402 = arith.index_cast %swap3A_400 : i32 to index
      %swap3A_403 = arith.index_cast %mul3A_398 : i32 to index
      %swap3A_404 = tpu.vector_load %arg10[%swap3A_401, %swap3A_402, %swap3A_403] {strides = array<i32>} : memref<4x16x256xf32, #tpu.memory_space<vmem>>, vector<16xf32>,
      tpu.vector_store %arg10[%swap3A_401, %swap3A_402, %swap3A_403], %broadcast_in_dim3A_38 {strides = array<i32>} : memref<4x16x256xf32, #tpu.memory_space<vmem>>, vector<16xf32>,
      %mul3A_405 = arith.constant 16 : i32
      %mul3A_406 = arith.muli %scan3A_109, %mul3A_405 : i32
      %swap3A_407 = arith.constant 2 : i32
      %swap3A_408 = arith.constant 5 : i32
      %swap3A_409 = arith.index_cast %swap3A_407 : i32 to index
      %swap3A_410 = arith.index_cast %swap3A_408 : i32 to index
      %swap3A_411 = arith.index_cast %mul3A_406 : i32 to index
      %swap3A_412 = tpu.vector_load %arg10[%swap3A_409, %swap3A_410, %swap3A_411] {strides = array<i32>} : memref<4x16x256xf32, #tpu.memory_space<vmem>>, vector<16xf32>,
      tpu.vector_store %arg10[%swap3A_409, %swap3A_410, %swap3A_411], %broadcast_in_dim3A_38 {strides = array<i32>} : memref<4x16x256xf32, #tpu.memory_space<vmem>>, vector<16xf32>,
      %mul3A_413 = arith.constant 16 : i32
      %mul3A_414 = arith.muli %scan3A_109, %mul3A_413 : i32
      %swap3A_415 = arith.constant 2 : i32
      %swap3A_416 = arith.constant 6 : i32
      %swap3A_417 = arith.index_cast %swap3A_415 : i32 to index
      %swap3A_418 = arith.index_cast %swap3A_416 : i32 to index
      %swap3A_419 = arith.index_cast %mul3A_414 : i32 to index
      %swap3A_420 = tpu.vector_load %arg10[%swap3A_417, %swap3A_418, %swap3A_419] {strides = array<i32>} : memref<4x16x256xf32, #tpu.memory_space<vmem>>, vector<16xf32>,
      tpu.vector_store %arg10[%swap3A_417, %swap3A_418, %swap3A_419], %broadcast_in_dim3A_38 {strides = array<i32>} : memref<4x16x256xf32, #tpu.memory_space<vmem>>, vector<16xf32>,
      %mul3A_421 = arith.constant 16 : i32
      %mul3A_422 = arith.muli %scan3A_109, %mul3A_421 : i32
      %swap3A_423 = arith.constant 2 : i32
      %swap3A_424 = arith.constant 7 : i32
      %swap3A_425 = arith.index_cast %swap3A_423 : i32 to index
      %swap3A_426 = arith.index_cast %swap3A_424 : i32 to index
      %swap3A_427 = arith.index_cast %mul3A_422 : i32 to index
      %swap3A_428 = tpu.vector_load %arg10[%swap3A_425, %swap3A_426, %swap3A_427] {strides = array<i32>} : memref<4x16x256xf32, #tpu.memory_space<vmem>>, vector<16xf32>,
      tpu.vector_store %arg10[%swap3A_425, %swap3A_426, %swap3A_427], %broadcast_in_dim3A_38 {strides = array<i32>} : memref<4x16x256xf32, #tpu.memory_space<vmem>>, vector<16xf32>,
      %mul3A_429 = arith.constant 16 : i32
      %mul3A_430 = arith.muli %scan3A_109, %mul3A_429 : i32
      %swap3A_431 = arith.constant 2 : i32
      %swap3A_432 = arith.constant 8 : i32
      %swap3A_433 = arith.index_cast %swap3A_431 : i32 to index
      %swap3A_434 = arith.index_cast %swap3A_432 : i32 to index
      %swap3A_435 = arith.index_cast %mul3A_430 : i32 to index
      %swap3A_436 = tpu.vector_load %arg10[%swap3A_433, %swap3A_434, %swap3A_435] {strides = array<i32>} : memref<4x16x256xf32, #tpu.memory_space<vmem>>, vector<16xf32>,
      tpu.vector_store %arg10[%swap3A_433, %swap3A_434, %swap3A_435], %broadcast_in_dim3A_38 {strides = array<i32>} : memref<4x16x256xf32, #tpu.memory_space<vmem>>, vector<16xf32>,
      %mul3A_437 = arith.constant 16 : i32
      %mul3A_438 = arith.muli %scan3A_109, %mul3A_437 : i32
      %swap3A_439 = arith.constant 2 : i32
      %swap3A_440 = arith.constant 9 : i32
      %swap3A_441 = arith.index_cast %swap3A_439 : i32 to index
      %swap3A_442 = arith.index_cast %swap3A_440 : i32 to index
      %swap3A_443 = arith.index_cast %mul3A_438 : i32 to index
      %swap3A_444 = tpu.vector_load %arg10[%swap3A_441, %swap3A_442, %swap3A_443] {strides = array<i32>} : memref<4x16x256xf32, #tpu.memory_space<vmem>>, vector<16xf32>,
      tpu.vector_store %arg10[%swap3A_441, %swap3A_442, %swap3A_443], %broadcast_in_dim3A_38 {strides = array<i32>} : memref<4x16x256xf32, #tpu.memory_space<vmem>>, vector<16xf32>,
      %mul3A_445 = arith.constant 16 : i32
      %mul3A_446 = arith.muli %scan3A_109, %mul3A_445 : i32
      %swap3A_447 = arith.constant 2 : i32
      %swap3A_448 = arith.constant 10 : i32
      %swap3A_449 = arith.index_cast %swap3A_447 : i32 to index
      %swap3A_450 = arith.index_cast %swap3A_448 : i32 to index
      %swap3A_451 = arith.index_cast %mul3A_446 : i32 to index
      %swap3A_452 = tpu.vector_load %arg10[%swap3A_449, %swap3A_450, %swap3A_451] {strides = array<i32>} : memref<4x16x256xf32, #tpu.memory_space<vmem>>, vector<16xf32>,
      tpu.vector_store %arg10[%swap3A_449, %swap3A_450, %swap3A_451], %broadcast_in_dim3A_38 {strides = array<i32>} : memref<4x16x256xf32, #tpu.memory_space<vmem>>, vector<16xf32>,
      %mul3A_453 = arith.constant 16 : i32
      %mul3A_454 = arith.muli %scan3A_109, %mul3A_453 : i32
      %swap3A_455 = arith.constant 2 : i32
      %swap3A_456 = arith.constant 11 : i32
      %swap3A_457 = arith.index_cast %swap3A_455 : i32 to index
      %swap3A_458 = arith.index_cast %swap3A_456 : i32 to index
      %swap3A_459 = arith.index_cast %mul3A_454 : i32 to index
      %swap3A_460 = tpu.vector_load %arg10[%swap3A_457, %swap3A_458, %swap3A_459] {strides = array<i32>} : memref<4x16x256xf32, #tpu.memory_space<vmem>>, vector<16xf32>,
      tpu.vector_store %arg10[%swap3A_457, %swap3A_458, %swap3A_459], %broadcast_in_dim3A_38 {strides = array<i32>} : memref<4x16x256xf32, #tpu.memory_space<vmem>>, vector<16xf32>,
      %mul3A_461 = arith.constant 16 : i32
      %mul3A_462 = arith.muli %scan3A_109, %mul3A_461 : i32
      %swap3A_463 = arith.constant 2 : i32
      %swap3A_464 = arith.constant 12 : i32
      %swap3A_465 = arith.index_cast %swap3A_463 : i32 to index
      %swap3A_466 = arith.index_cast %swap3A_464 : i32 to index
      %swap3A_467 = arith.index_cast %mul3A_462 : i32 to index
      %swap3A_468 = tpu.vector_load %arg10[%swap3A_465, %swap3A_466, %swap3A_467] {strides = array<i32>} : memref<4x16x256xf32, #tpu.memory_space<vmem>>, vector<16xf32>,
      tpu.vector_store %arg10[%swap3A_465, %swap3A_466, %swap3A_467], %broadcast_in_dim3A_38 {strides = array<i32>} : memref<4x16x256xf32, #tpu.memory_space<vmem>>, vector<16xf32>,
      %mul3A_469 = arith.constant 16 : i32
      %mul3A_470 = arith.muli %scan3A_109, %mul3A_469 : i32
      %swap3A_471 = arith.constant 2 : i32
      %swap3A_472 = arith.constant 13 : i32
      %swap3A_473 = arith.index_cast %swap3A_471 : i32 to index
      %swap3A_474 = arith.index_cast %swap3A_472 : i32 to index
      %swap3A_475 = arith.index_cast %mul3A_470 : i32 to index
      %swap3A_476 = tpu.vector_load %arg10[%swap3A_473, %swap3A_474, %swap3A_475] {strides = array<i32>} : memref<4x16x256xf32, #tpu.memory_space<vmem>>, vector<16xf32>,
      tpu.vector_store %arg10[%swap3A_473, %swap3A_474, %swap3A_475], %broadcast_in_dim3A_38 {strides = array<i32>} : memref<4x16x256xf32, #tpu.memory_space<vmem>>, vector<16xf32>,
      %mul3A_477 = arith.constant 16 : i32
      %mul3A_478 = arith.muli %scan3A_109, %mul3A_477 : i32
      %swap3A_479 = arith.constant 2 : i32
      %swap3A_480 = arith.constant 14 : i32
      %swap3A_481 = arith.index_cast %swap3A_479 : i32 to index
      %swap3A_482 = arith.index_cast %swap3A_480 : i32 to index
      %swap3A_483 = arith.index_cast %mul3A_478 : i32 to index
      %swap3A_484 = tpu.vector_load %arg10[%swap3A_481, %swap3A_482, %swap3A_483] {strides = array<i32>} : memref<4x16x256xf32, #tpu.memory_space<vmem>>, vector<16xf32>,
      tpu.vector_store %arg10[%swap3A_481, %swap3A_482, %swap3A_483], %broadcast_in_dim3A_38 {strides = array<i32>} : memref<4x16x256xf32, #tpu.memory_space<vmem>>, vector<16xf32>,
      %mul3A_485 = arith.constant 16 : i32
      %mul3A_486 = arith.muli %scan3A_109, %mul3A_485 : i32
      %swap3A_487 = arith.constant 2 : i32
      %swap3A_488 = arith.constant 15 : i32
      %swap3A_489 = arith.index_cast %swap3A_487 : i32 to index
      %swap3A_490 = arith.index_cast %swap3A_488 : i32 to index
      %swap3A_491 = arith.index_cast %mul3A_486 : i32 to index
      %swap3A_492 = tpu.vector_load %arg10[%swap3A_489, %swap3A_490, %swap3A_491] {strides = array<i32>} : memref<4x16x256xf32, #tpu.memory_space<vmem>>, vector<16xf32>,
      tpu.vector_store %arg10[%swap3A_489, %swap3A_490, %swap3A_491], %broadcast_in_dim3A_38 {strides = array<i32>} : memref<4x16x256xf32, #tpu.memory_space<vmem>>, vector<16xf32>,
      %mul3A_493 = arith.constant 16 : i32
      %mul3A_494 = arith.muli %scan3A_109, %mul3A_493 : i32
      %swap3A_495 = arith.constant 3 : i32
      %swap3A_496 = arith.constant 0 : i32
      %swap3A_497 = arith.index_cast %swap3A_495 : i32 to index
      %swap3A_498 = arith.index_cast %swap3A_496 : i32 to index
      %swap3A_499 = arith.index_cast %mul3A_494 : i32 to index
      %swap3A_500 = tpu.vector_load %arg10[%swap3A_497, %swap3A_498, %swap3A_499] {strides = array<i32>} : memref<4x16x256xf32, #tpu.memory_space<vmem>>, vector<16xf32>,
      tpu.vector_store %arg10[%swap3A_497, %swap3A_498, %swap3A_499], %broadcast_in_dim3A_38 {strides = array<i32>} : memref<4x16x256xf32, #tpu.memory_space<vmem>>, vector<16xf32>,
      %mul3A_501 = arith.constant 16 : i32
      %mul3A_502 = arith.muli %scan3A_109, %mul3A_501 : i32
      %swap3A_503 = arith.constant 3 : i32
      %swap3A_504 = arith.constant 1 : i32
      %swap3A_505 = arith.index_cast %swap3A_503 : i32 to index
      %swap3A_506 = arith.index_cast %swap3A_504 : i32 to index
      %swap3A_507 = arith.index_cast %mul3A_502 : i32 to index
      %swap3A_508 = tpu.vector_load %arg10[%swap3A_505, %swap3A_506, %swap3A_507] {strides = array<i32>} : memref<4x16x256xf32, #tpu.memory_space<vmem>>, vector<16xf32>,
      tpu.vector_store %arg10[%swap3A_505, %swap3A_506, %swap3A_507], %broadcast_in_dim3A_38 {strides = array<i32>} : memref<4x16x256xf32, #tpu.memory_space<vmem>>, vector<16xf32>,
      %mul3A_509 = arith.constant 16 : i32
      %mul3A_510 = arith.muli %scan3A_109, %mul3A_509 : i32
      %swap3A_511 = arith.constant 3 : i32
      %swap3A_512 = arith.constant 2 : i32
      %swap3A_513 = arith.index_cast %swap3A_511 : i32 to index
      %swap3A_514 = arith.index_cast %swap3A_512 : i32 to index
      %swap3A_515 = arith.index_cast %mul3A_510 : i32 to index
      %swap3A_516 = tpu.vector_load %arg10[%swap3A_513, %swap3A_514, %swap3A_515] {strides = array<i32>} : memref<4x16x256xf32, #tpu.memory_space<vmem>>, vector<16xf32>,
      tpu.vector_store %arg10[%swap3A_513, %swap3A_514, %swap3A_515], %broadcast_in_dim3A_38 {strides = array<i32>} : memref<4x16x256xf32, #tpu.memory_space<vmem>>, vector<16xf32>,
      %mul3A_517 = arith.constant 16 : i32
      %mul3A_518 = arith.muli %scan3A_109, %mul3A_517 : i32
      %swap3A_519 = arith.constant 3 : i32
      %swap3A_520 = arith.constant 3 : i32
      %swap3A_521 = arith.index_cast %swap3A_519 : i32 to index
      %swap3A_522 = arith.index_cast %swap3A_520 : i32 to index
      %swap3A_523 = arith.index_cast %mul3A_518 : i32 to index
      %swap3A_524 = tpu.vector_load %arg10[%swap3A_521, %swap3A_522, %swap3A_523] {strides = array<i32>} : memref<4x16x256xf32, #tpu.memory_space<vmem>>, vector<16xf32>,
      tpu.vector_store %arg10[%swap3A_521, %swap3A_522, %swap3A_523], %broadcast_in_dim3A_38 {strides = array<i32>} : memref<4x16x256xf32, #tpu.memory_space<vmem>>, vector<16xf32>,
      %mul3A_525 = arith.constant 16 : i32
      %mul3A_526 = arith.muli %scan3A_109, %mul3A_525 : i32
      %swap3A_527 = arith.constant 3 : i32
      %swap3A_528 = arith.constant 4 : i32
      %swap3A_529 = arith.index_cast %swap3A_527 : i32 to index
      %swap3A_530 = arith.index_cast %swap3A_528 : i32 to index
      %swap3A_531 = arith.index_cast %mul3A_526 : i32 to index
      %swap3A_532 = tpu.vector_load %arg10[%swap3A_529, %swap3A_530, %swap3A_531] {strides = array<i32>} : memref<4x16x256xf32, #tpu.memory_space<vmem>>, vector<16xf32>,
      tpu.vector_store %arg10[%swap3A_529, %swap3A_530, %swap3A_531], %broadcast_in_dim3A_38 {strides = array<i32>} : memref<4x16x256xf32, #tpu.memory_space<vmem>>, vector<16xf32>,
      %mul3A_533 = arith.constant 16 : i32
      %mul3A_534 = arith.muli %scan3A_109, %mul3A_533 : i32
      %swap3A_535 = arith.constant 3 : i32
      %swap3A_536 = arith.constant 5 : i32
      %swap3A_537 = arith.index_cast %swap3A_535 : i32 to index
      %swap3A_538 = arith.index_cast %swap3A_536 : i32 to index
      %swap3A_539 = arith.index_cast %mul3A_534 : i32 to index
      %swap3A_540 = tpu.vector_load %arg10[%swap3A_537, %swap3A_538, %swap3A_539] {strides = array<i32>} : memref<4x16x256xf32, #tpu.memory_space<vmem>>, vector<16xf32>,
      tpu.vector_store %arg10[%swap3A_537, %swap3A_538, %swap3A_539], %broadcast_in_dim3A_38 {strides = array<i32>} : memref<4x16x256xf32, #tpu.memory_space<vmem>>, vector<16xf32>,
      %mul3A_541 = arith.constant 16 : i32
      %mul3A_542 = arith.muli %scan3A_109, %mul3A_541 : i32
      %swap3A_543 = arith.constant 3 : i32
      %swap3A_544 = arith.constant 6 : i32
      %swap3A_545 = arith.index_cast %swap3A_543 : i32 to index
      %swap3A_546 = arith.index_cast %swap3A_544 : i32 to index
      %swap3A_547 = arith.index_cast %mul3A_542 : i32 to index
      %swap3A_548 = tpu.vector_load %arg10[%swap3A_545, %swap3A_546, %swap3A_547] {strides = array<i32>} : memref<4x16x256xf32, #tpu.memory_space<vmem>>, vector<16xf32>,
      tpu.vector_store %arg10[%swap3A_545, %swap3A_546, %swap3A_547], %broadcast_in_dim3A_38 {strides = array<i32>} : memref<4x16x256xf32, #tpu.memory_space<vmem>>, vector<16xf32>,
      %mul3A_549 = arith.constant 16 : i32
      %mul3A_550 = arith.muli %scan3A_109, %mul3A_549 : i32
      %swap3A_551 = arith.constant 3 : i32
      %swap3A_552 = arith.constant 7 : i32
      %swap3A_553 = arith.index_cast %swap3A_551 : i32 to index
      %swap3A_554 = arith.index_cast %swap3A_552 : i32 to index
      %swap3A_555 = arith.index_cast %mul3A_550 : i32 to index
      %swap3A_556 = tpu.vector_load %arg10[%swap3A_553, %swap3A_554, %swap3A_555] {strides = array<i32>} : memref<4x16x256xf32, #tpu.memory_space<vmem>>, vector<16xf32>,
      tpu.vector_store %arg10[%swap3A_553, %swap3A_554, %swap3A_555], %broadcast_in_dim3A_38 {strides = array<i32>} : memref<4x16x256xf32, #tpu.memory_space<vmem>>, vector<16xf32>,
      %mul3A_557 = arith.constant 16 : i32
      %mul3A_558 = arith.muli %scan3A_109, %mul3A_557 : i32
      %swap3A_559 = arith.constant 3 : i32
      %swap3A_560 = arith.constant 8 : i32
      %swap3A_561 = arith.index_cast %swap3A_559 : i32 to index
      %swap3A_562 = arith.index_cast %swap3A_560 : i32 to index
      %swap3A_563 = arith.index_cast %mul3A_558 : i32 to index
      %swap3A_564 = tpu.vector_load %arg10[%swap3A_561, %swap3A_562, %swap3A_563] {strides = array<i32>} : memref<4x16x256xf32, #tpu.memory_space<vmem>>, vector<16xf32>,
      tpu.vector_store %arg10[%swap3A_561, %swap3A_562, %swap3A_563], %broadcast_in_dim3A_38 {strides = array<i32>} : memref<4x16x256xf32, #tpu.memory_space<vmem>>, vector<16xf32>,
      %mul3A_565 = arith.constant 16 : i32
      %mul3A_566 = arith.muli %scan3A_109, %mul3A_565 : i32
      %swap3A_567 = arith.constant 3 : i32
      %swap3A_568 = arith.constant 9 : i32
      %swap3A_569 = arith.index_cast %swap3A_567 : i32 to index
      %swap3A_570 = arith.index_cast %swap3A_568 : i32 to index
      %swap3A_571 = arith.index_cast %mul3A_566 : i32 to index
      %swap3A_572 = tpu.vector_load %arg10[%swap3A_569, %swap3A_570, %swap3A_571] {strides = array<i32>} : memref<4x16x256xf32, #tpu.memory_space<vmem>>, vector<16xf32>,
      tpu.vector_store %arg10[%swap3A_569, %swap3A_570, %swap3A_571], %broadcast_in_dim3A_38 {strides = array<i32>} : memref<4x16x256xf32, #tpu.memory_space<vmem>>, vector<16xf32>,
      %mul3A_573 = arith.constant 16 : i32
      %mul3A_574 = arith.muli %scan3A_109, %mul3A_573 : i32
      %swap3A_575 = arith.constant 3 : i32
      %swap3A_576 = arith.constant 10 : i32
      %swap3A_577 = arith.index_cast %swap3A_575 : i32 to index
      %swap3A_578 = arith.index_cast %swap3A_576 : i32 to index
      %swap3A_579 = arith.index_cast %mul3A_574 : i32 to index
      %swap3A_580 = tpu.vector_load %arg10[%swap3A_577, %swap3A_578, %swap3A_579] {strides = array<i32>} : memref<4x16x256xf32, #tpu.memory_space<vmem>>, vector<16xf32>,
      tpu.vector_store %arg10[%swap3A_577, %swap3A_578, %swap3A_579], %broadcast_in_dim3A_38 {strides = array<i32>} : memref<4x16x256xf32, #tpu.memory_space<vmem>>, vector<16xf32>,
      %mul3A_581 = arith.constant 16 : i32
      %mul3A_582 = arith.muli %scan3A_109, %mul3A_581 : i32
      %swap3A_583 = arith.constant 3 : i32
      %swap3A_584 = arith.constant 11 : i32
      %swap3A_585 = arith.index_cast %swap3A_583 : i32 to index
      %swap3A_586 = arith.index_cast %swap3A_584 : i32 to index
      %swap3A_587 = arith.index_cast %mul3A_582 : i32 to index
      %swap3A_588 = tpu.vector_load %arg10[%swap3A_585, %swap3A_586, %swap3A_587] {strides = array<i32>} : memref<4x16x256xf32, #tpu.memory_space<vmem>>, vector<16xf32>,
      tpu.vector_store %arg10[%swap3A_585, %swap3A_586, %swap3A_587], %broadcast_in_dim3A_38 {strides = array<i32>} : memref<4x16x256xf32, #tpu.memory_space<vmem>>, vector<16xf32>,
      %mul3A_589 = arith.constant 16 : i32
      %mul3A_590 = arith.muli %scan3A_109, %mul3A_589 : i32
      %swap3A_591 = arith.constant 3 : i32
      %swap3A_592 = arith.constant 12 : i32
      %swap3A_593 = arith.index_cast %swap3A_591 : i32 to index
      %swap3A_594 = arith.index_cast %swap3A_592 : i32 to index
      %swap3A_595 = arith.index_cast %mul3A_590 : i32 to index
      %swap3A_596 = tpu.vector_load %arg10[%swap3A_593, %swap3A_594, %swap3A_595] {strides = array<i32>} : memref<4x16x256xf32, #tpu.memory_space<vmem>>, vector<16xf32>,
      tpu.vector_store %arg10[%swap3A_593, %swap3A_594, %swap3A_595], %broadcast_in_dim3A_38 {strides = array<i32>} : memref<4x16x256xf32, #tpu.memory_space<vmem>>, vector<16xf32>,
      %mul3A_597 = arith.constant 16 : i32
      %mul3A_598 = arith.muli %scan3A_109, %mul3A_597 : i32
      %swap3A_599 = arith.constant 3 : i32
      %swap3A_600 = arith.constant 13 : i32
      %swap3A_601 = arith.index_cast %swap3A_599 : i32 to index
      %swap3A_602 = arith.index_cast %swap3A_600 : i32 to index
      %swap3A_603 = arith.index_cast %mul3A_598 : i32 to index
      %swap3A_604 = tpu.vector_load %arg10[%swap3A_601, %swap3A_602, %swap3A_603] {strides = array<i32>} : memref<4x16x256xf32, #tpu.memory_space<vmem>>, vector<16xf32>,
      tpu.vector_store %arg10[%swap3A_601, %swap3A_602, %swap3A_603], %broadcast_in_dim3A_38 {strides = array<i32>} : memref<4x16x256xf32, #tpu.memory_space<vmem>>, vector<16xf32>,
      %mul3A_605 = arith.constant 16 : i32
      %mul3A_606 = arith.muli %scan3A_109, %mul3A_605 : i32
      %swap3A_607 = arith.constant 3 : i32
      %swap3A_608 = arith.constant 14 : i32
      %swap3A_609 = arith.index_cast %swap3A_607 : i32 to index
      %swap3A_610 = arith.index_cast %swap3A_608 : i32 to index
      %swap3A_611 = arith.index_cast %mul3A_606 : i32 to index
      %swap3A_612 = tpu.vector_load %arg10[%swap3A_609, %swap3A_610, %swap3A_611] {strides = array<i32>} : memref<4x16x256xf32, #tpu.memory_space<vmem>>, vector<16xf32>,
      tpu.vector_store %arg10[%swap3A_609, %swap3A_610, %swap3A_611], %broadcast_in_dim3A_38 {strides = array<i32>} : memref<4x16x256xf32, #tpu.memory_space<vmem>>, vector<16xf32>,
      %mul3A_613 = arith.constant 16 : i32
      %mul3A_614 = arith.muli %scan3A_109, %mul3A_613 : i32
      %swap3A_615 = arith.constant 3 : i32
      %swap3A_616 = arith.constant 15 : i32
      %swap3A_617 = arith.index_cast %swap3A_615 : i32 to index
      %swap3A_618 = arith.index_cast %swap3A_616 : i32 to index
      %swap3A_619 = arith.index_cast %mul3A_614 : i32 to index
      %swap3A_620 = tpu.vector_load %arg10[%swap3A_617, %swap3A_618, %swap3A_619] {strides = array<i32>} : memref<4x16x256xf32, #tpu.memory_space<vmem>>, vector<16xf32>,
      tpu.vector_store %arg10[%swap3A_617, %swap3A_618, %swap3A_619], %broadcast_in_dim3A_38 {strides = array<i32>} : memref<4x16x256xf32, #tpu.memory_space<vmem>>, vector<16xf32>,
    }
    %scan3A_44 = arith.constant 16 : i32
    %scan3A_45 = arith.constant 0 : i32
    %scan3A_46 = arith.constant 16 : i32
    %scan3A_47 = arith.addi %scan3A_45, %scan3A_46 : i32
    %scan3A_48 = arith.constant 1 : i32
    scf.for %scan3A_109 = %scan3A_45 to %scan3A_47 step %scan3A_48  : i32 {
      %and3A_110 = arith.constant 3 : i32
      %and3A_111 = arith.andi %scan3A_109, %and3A_110 : i32
      %broadcast_in_dim3A_112 = arith.constant 0 : i32
      %broadcast_in_dim3A_113 = vector.broadcast %broadcast_in_dim3A_112 : i32 to vector<16xi32>
      %add3A_114 = vector.broadcast %and3A_111 : i32 to vector<16xi32>
      %add3A_115 = arith.addi %broadcast_in_dim3A_113, %add3A_114 : vector<16xi32>
      %ge3A = arith.constant 4 : i32
      %ge3A_116 = arith.cmpi sge, %scan3A_109, %ge3A : i32
      %convert_element_type3A_117 = arith.extui %ge3A_116 : i1 to i32
      %cond3A_118 = arith.constant 0 : i32
      %cond3A_119 = arith.cmpi ne, %convert_element_type3A_117, %cond3A_118 : i32
      scf.if %cond3A_119 {
        %dma_wait3A_359 = arith.constant 0 : i32
        %dma_wait3A_360 = arith.constant 0 : i32
        %dma_wait3A_361 = tpu.memref_slice %arg10[%and3A_111, %dma_wait3A_359, %dma_wait3A_360] : memref<4x16x256xf32, #tpu.memory_space<vmem>> -> memref<1x16x256xf32, #tpu.memory_space<vmem>>
        %dma_wait3A_362 = tpu.memref_squeeze %dma_wait3A_361 : memref<1x16x256xf32, #tpu.memory_space<vmem>> -> memref<16x256xf32, #tpu.memory_space<vmem>>
        %dma_wait3A_363 = arith.constant 0 : i32
        %dma_wait3A_364 = tpu.memref_slice %arg5[%select_n3A, %mul3A_32, %dma_wait3A_363] : memref<16x512x256xf32, #tpu.memory_space<hbm>> -> memref<1x16x256xf32, #tpu.memory_space<hbm>>
        %dma_wait3A_365 = tpu.memref_squeeze %dma_wait3A_364 : memref<1x16x256xf32, #tpu.memory_space<hbm>> -> memref<16x256xf32, #tpu.memory_space<hbm>>
        %dma_wait3A_366 = arith.constant 0 : i32
        %dma_wait3A_367 = tpu.memref_slice %arg5[%select_n3A, %mul3A_32, %dma_wait3A_366] : memref<16x512x256xf32, #tpu.memory_space<hbm>> -> memref<1x16x256xf32, #tpu.memory_space<hbm>>
        %dma_wait3A_368 = tpu.memref_squeeze %dma_wait3A_367 : memref<1x16x256xf32, #tpu.memory_space<hbm>> -> memref<16x256xf32, #tpu.memory_space<hbm>>
        %dma_wait3A_369 = arith.constant 0 : i32
        %dma_wait3A_370 = arith.constant 0 : i32
        %dma_wait3A_371 = tpu.memref_slice %arg10[%and3A_111, %dma_wait3A_369, %dma_wait3A_370] : memref<4x16x256xf32, #tpu.memory_space<vmem>> -> memref<1x16x256xf32, #tpu.memory_space<vmem>>
        %dma_wait3A_372 = tpu.memref_squeeze %dma_wait3A_371 : memref<1x16x256xf32, #tpu.memory_space<vmem>> -> memref<16x256xf32, #tpu.memory_space<vmem>>
        tpu.wait_dma2 semaphore(%arg11 : memref<!tpu.dma_semaphore, #tpu.memory_space<semaphore_mem>>) src(%dma_wait3A_372 : memref<16x256xf32, #tpu.memory_space<vmem>>) dst(%dma_wait3A_368 : memref<16x256xf32, #tpu.memory_space<hbm>>)
        %sub3A_373 = arith.constant 4 : i32
        %sub3A_374 = arith.subi %scan3A_109, %sub3A_373 : i32
        %mul3A_375 = arith.constant 16 : i32
        %mul3A_376 = arith.muli %sub3A_374, %mul3A_375 : i32
        %add3A_377 = vector.broadcast %mul3A_376 : i32 to vector<16xi32>
        %add3A_378 = arith.addi %iota3A, %add3A_377 : vector<16xi32>
        %broadcast_in_dim3A_379 = arith.constant 19 : i32
        %broadcast_in_dim3A_380 = vector.broadcast %broadcast_in_dim3A_379 : i32 to vector<16xi32>
        %gather3A_381 = tpu.vector_load_idx %arg7[%broadcast_in_dim3A_380, %add3A_378] : memref<20x256xi32, #tpu.memory_space<vmem>>[vector<16xi32>, vector<16xi32>], vector<16xi32>,
        %broadcast_in_dim3A_382 = arith.constant 18 : i32
        %broadcast_in_dim3A_383 = vector.broadcast %broadcast_in_dim3A_382 : i32 to vector<16xi32>
        %gather3A_384 = tpu.vector_load_idx %arg7[%broadcast_in_dim3A_383, %add3A_378] : memref<20x256xi32, #tpu.memory_space<vmem>>[vector<16xi32>, vector<16xi32>], vector<16xi32>,
        %broadcast_in_dim3A_385 = arith.constant 17 : i32
        %broadcast_in_dim3A_386 = vector.broadcast %broadcast_in_dim3A_385 : i32 to vector<16xi32>
        %gather3A_387 = tpu.vector_load_idx %arg7[%broadcast_in_dim3A_386, %add3A_378] : memref<20x256xi32, #tpu.memory_space<vmem>>[vector<16xi32>, vector<16xi32>], vector<16xi32>,
        %broadcast_in_dim3A_388 = arith.constant 16 : i32
        %broadcast_in_dim3A_389 = vector.broadcast %broadcast_in_dim3A_388 : i32 to vector<16xi32>
        %gather3A_390 = tpu.vector_load_idx %arg7[%broadcast_in_dim3A_389, %add3A_378] : memref<20x256xi32, #tpu.memory_space<vmem>>[vector<16xi32>, vector<16xi32>], vector<16xi32>,
        %broadcast_in_dim3A_391 = arith.constant 15 : i32
        %broadcast_in_dim3A_392 = vector.broadcast %broadcast_in_dim3A_391 : i32 to vector<16xi32>
        %gather3A_393 = tpu.vector_load_idx %arg7[%broadcast_in_dim3A_392, %add3A_378] : memref<20x256xi32, #tpu.memory_space<vmem>>[vector<16xi32>, vector<16xi32>], vector<16xi32>,
        %broadcast_in_dim3A_394 = arith.constant 14 : i32
        %broadcast_in_dim3A_395 = vector.broadcast %broadcast_in_dim3A_394 : i32 to vector<16xi32>
        %gather3A_396 = tpu.vector_load_idx %arg7[%broadcast_in_dim3A_395, %add3A_378] : memref<20x256xi32, #tpu.memory_space<vmem>>[vector<16xi32>, vector<16xi32>], vector<16xi32>,
        %broadcast_in_dim3A_397 = arith.constant 13 : i32
        %broadcast_in_dim3A_398 = vector.broadcast %broadcast_in_dim3A_397 : i32 to vector<16xi32>
        %gather3A_399 = tpu.vector_load_idx %arg7[%broadcast_in_dim3A_398, %add3A_378] : memref<20x256xi32, #tpu.memory_space<vmem>>[vector<16xi32>, vector<16xi32>], vector<16xi32>,
        %broadcast_in_dim3A_400 = arith.constant 12 : i32
        %broadcast_in_dim3A_401 = vector.broadcast %broadcast_in_dim3A_400 : i32 to vector<16xi32>
        %gather3A_402 = tpu.vector_load_idx %arg7[%broadcast_in_dim3A_401, %add3A_378] : memref<20x256xi32, #tpu.memory_space<vmem>>[vector<16xi32>, vector<16xi32>], vector<16xi32>,
        %broadcast_in_dim3A_403 = arith.constant 11 : i32
        %broadcast_in_dim3A_404 = vector.broadcast %broadcast_in_dim3A_403 : i32 to vector<16xi32>
        %gather3A_405 = tpu.vector_load_idx %arg7[%broadcast_in_dim3A_404, %add3A_378] : memref<20x256xi32, #tpu.memory_space<vmem>>[vector<16xi32>, vector<16xi32>], vector<16xi32>,
        %broadcast_in_dim3A_406 = arith.constant 10 : i32
        %broadcast_in_dim3A_407 = vector.broadcast %broadcast_in_dim3A_406 : i32 to vector<16xi32>
        %gather3A_408 = tpu.vector_load_idx %arg7[%broadcast_in_dim3A_407, %add3A_378] : memref<20x256xi32, #tpu.memory_space<vmem>>[vector<16xi32>, vector<16xi32>], vector<16xi32>,
        %broadcast_in_dim3A_409 = arith.constant 9 : i32
        %broadcast_in_dim3A_410 = vector.broadcast %broadcast_in_dim3A_409 : i32 to vector<16xi32>
        %gather3A_411 = tpu.vector_load_idx %arg7[%broadcast_in_dim3A_410, %add3A_378] : memref<20x256xi32, #tpu.memory_space<vmem>>[vector<16xi32>, vector<16xi32>], vector<16xi32>,
        %broadcast_in_dim3A_412 = arith.constant 8 : i32
        %broadcast_in_dim3A_413 = vector.broadcast %broadcast_in_dim3A_412 : i32 to vector<16xi32>
        %gather3A_414 = tpu.vector_load_idx %arg7[%broadcast_in_dim3A_413, %add3A_378] : memref<20x256xi32, #tpu.memory_space<vmem>>[vector<16xi32>, vector<16xi32>], vector<16xi32>,
        %broadcast_in_dim3A_415 = arith.constant 7 : i32
        %broadcast_in_dim3A_416 = vector.broadcast %broadcast_in_dim3A_415 : i32 to vector<16xi32>
        %gather3A_417 = tpu.vector_load_idx %arg7[%broadcast_in_dim3A_416, %add3A_378] : memref<20x256xi32, #tpu.memory_space<vmem>>[vector<16xi32>, vector<16xi32>], vector<16xi32>,
        %broadcast_in_dim3A_418 = arith.constant 6 : i32
        %broadcast_in_dim3A_419 = vector.broadcast %broadcast_in_dim3A_418 : i32 to vector<16xi32>
        %gather3A_420 = tpu.vector_load_idx %arg7[%broadcast_in_dim3A_419, %add3A_378] : memref<20x256xi32, #tpu.memory_space<vmem>>[vector<16xi32>, vector<16xi32>], vector<16xi32>,
        %broadcast_in_dim3A_421 = arith.constant 5 : i32
        %broadcast_in_dim3A_422 = vector.broadcast %broadcast_in_dim3A_421 : i32 to vector<16xi32>
        %gather3A_423 = tpu.vector_load_idx %arg7[%broadcast_in_dim3A_422, %add3A_378] : memref<20x256xi32, #tpu.memory_space<vmem>>[vector<16xi32>, vector<16xi32>], vector<16xi32>,
        %broadcast_in_dim3A_424 = arith.constant 4 : i32
        %broadcast_in_dim3A_425 = vector.broadcast %broadcast_in_dim3A_424 : i32 to vector<16xi32>
        %gather3A_426 = tpu.vector_load_idx %arg7[%broadcast_in_dim3A_425, %add3A_378] : memref<20x256xi32, #tpu.memory_space<vmem>>[vector<16xi32>, vector<16xi32>], vector<16xi32>,
        %broadcast_in_dim3A_427 = arith.constant 3 : i32
        %broadcast_in_dim3A_428 = vector.broadcast %broadcast_in_dim3A_427 : i32 to vector<16xi32>
        %gather3A_429 = tpu.vector_load_idx %arg7[%broadcast_in_dim3A_428, %add3A_378] : memref<20x256xi32, #tpu.memory_space<vmem>>[vector<16xi32>, vector<16xi32>], vector<16xi32>,
        %broadcast_in_dim3A_430 = arith.constant 2 : i32
        %broadcast_in_dim3A_431 = vector.broadcast %broadcast_in_dim3A_430 : i32 to vector<16xi32>
        %gather3A_432 = tpu.vector_load_idx %arg7[%broadcast_in_dim3A_431, %add3A_378] : memref<20x256xi32, #tpu.memory_space<vmem>>[vector<16xi32>, vector<16xi32>], vector<16xi32>,
        %broadcast_in_dim3A_433 = arith.constant 1 : i32
        %broadcast_in_dim3A_434 = vector.broadcast %broadcast_in_dim3A_433 : i32 to vector<16xi32>
        %gather3A_435 = tpu.vector_load_idx %arg7[%broadcast_in_dim3A_434, %add3A_378] : memref<20x256xi32, #tpu.memory_space<vmem>>[vector<16xi32>, vector<16xi32>], vector<16xi32>,
        %broadcast_in_dim3A_436 = arith.constant 0 : i32
        %broadcast_in_dim3A_437 = vector.broadcast %broadcast_in_dim3A_436 : i32 to vector<16xi32>
        %gather3A_438 = tpu.vector_load_idx %arg7[%broadcast_in_dim3A_437, %add3A_378] : memref<20x256xi32, #tpu.memory_space<vmem>>[vector<16xi32>, vector<16xi32>], vector<16xi32>,
        tpu.vector_store_idx %arg10[%add3A_115, %iota3A, %gather3A_381], %broadcast_in_dim3A_38 : memref<4x16x256xf32, #tpu.memory_space<vmem>>[vector<16xi32>, vector<16xi32>, vector<16xi32>], vector<16xf32>,
        tpu.vector_store_idx %arg10[%add3A_115, %iota3A, %gather3A_384], %broadcast_in_dim3A_38 : memref<4x16x256xf32, #tpu.memory_space<vmem>>[vector<16xi32>, vector<16xi32>, vector<16xi32>], vector<16xf32>,
        tpu.vector_store_idx %arg10[%add3A_115, %iota3A, %gather3A_387], %broadcast_in_dim3A_38 : memref<4x16x256xf32, #tpu.memory_space<vmem>>[vector<16xi32>, vector<16xi32>, vector<16xi32>], vector<16xf32>,
        tpu.vector_store_idx %arg10[%add3A_115, %iota3A, %gather3A_390], %broadcast_in_dim3A_38 : memref<4x16x256xf32, #tpu.memory_space<vmem>>[vector<16xi32>, vector<16xi32>, vector<16xi32>], vector<16xf32>,
        tpu.vector_store_idx %arg10[%add3A_115, %iota3A, %gather3A_393], %broadcast_in_dim3A_38 : memref<4x16x256xf32, #tpu.memory_space<vmem>>[vector<16xi32>, vector<16xi32>, vector<16xi32>], vector<16xf32>,
        tpu.vector_store_idx %arg10[%add3A_115, %iota3A, %gather3A_396], %broadcast_in_dim3A_38 : memref<4x16x256xf32, #tpu.memory_space<vmem>>[vector<16xi32>, vector<16xi32>, vector<16xi32>], vector<16xf32>,
        tpu.vector_store_idx %arg10[%add3A_115, %iota3A, %gather3A_399], %broadcast_in_dim3A_38 : memref<4x16x256xf32, #tpu.memory_space<vmem>>[vector<16xi32>, vector<16xi32>, vector<16xi32>], vector<16xf32>,
        tpu.vector_store_idx %arg10[%add3A_115, %iota3A, %gather3A_402], %broadcast_in_dim3A_38 : memref<4x16x256xf32, #tpu.memory_space<vmem>>[vector<16xi32>, vector<16xi32>, vector<16xi32>], vector<16xf32>,
        tpu.vector_store_idx %arg10[%add3A_115, %iota3A, %gather3A_405], %broadcast_in_dim3A_38 : memref<4x16x256xf32, #tpu.memory_space<vmem>>[vector<16xi32>, vector<16xi32>, vector<16xi32>], vector<16xf32>,
        tpu.vector_store_idx %arg10[%add3A_115, %iota3A, %gather3A_408], %broadcast_in_dim3A_38 : memref<4x16x256xf32, #tpu.memory_space<vmem>>[vector<16xi32>, vector<16xi32>, vector<16xi32>], vector<16xf32>,
        tpu.vector_store_idx %arg10[%add3A_115, %iota3A, %gather3A_411], %broadcast_in_dim3A_38 : memref<4x16x256xf32, #tpu.memory_space<vmem>>[vector<16xi32>, vector<16xi32>, vector<16xi32>], vector<16xf32>,
        tpu.vector_store_idx %arg10[%add3A_115, %iota3A, %gather3A_414], %broadcast_in_dim3A_38 : memref<4x16x256xf32, #tpu.memory_space<vmem>>[vector<16xi32>, vector<16xi32>, vector<16xi32>], vector<16xf32>,
        tpu.vector_store_idx %arg10[%add3A_115, %iota3A, %gather3A_417], %broadcast_in_dim3A_38 : memref<4x16x256xf32, #tpu.memory_space<vmem>>[vector<16xi32>, vector<16xi32>, vector<16xi32>], vector<16xf32>,
        tpu.vector_store_idx %arg10[%add3A_115, %iota3A, %gather3A_420], %broadcast_in_dim3A_38 : memref<4x16x256xf32, #tpu.memory_space<vmem>>[vector<16xi32>, vector<16xi32>, vector<16xi32>], vector<16xf32>,
        tpu.vector_store_idx %arg10[%add3A_115, %iota3A, %gather3A_423], %broadcast_in_dim3A_38 : memref<4x16x256xf32, #tpu.memory_space<vmem>>[vector<16xi32>, vector<16xi32>, vector<16xi32>], vector<16xf32>,
        tpu.vector_store_idx %arg10[%add3A_115, %iota3A, %gather3A_426], %broadcast_in_dim3A_38 : memref<4x16x256xf32, #tpu.memory_space<vmem>>[vector<16xi32>, vector<16xi32>, vector<16xi32>], vector<16xf32>,
        tpu.vector_store_idx %arg10[%add3A_115, %iota3A, %gather3A_429], %broadcast_in_dim3A_38 : memref<4x16x256xf32, #tpu.memory_space<vmem>>[vector<16xi32>, vector<16xi32>, vector<16xi32>], vector<16xf32>,
        tpu.vector_store_idx %arg10[%add3A_115, %iota3A, %gather3A_432], %broadcast_in_dim3A_38 : memref<4x16x256xf32, #tpu.memory_space<vmem>>[vector<16xi32>, vector<16xi32>, vector<16xi32>], vector<16xf32>,
        tpu.vector_store_idx %arg10[%add3A_115, %iota3A, %gather3A_435], %broadcast_in_dim3A_38 : memref<4x16x256xf32, #tpu.memory_space<vmem>>[vector<16xi32>, vector<16xi32>, vector<16xi32>], vector<16xf32>,
        tpu.vector_store_idx %arg10[%add3A_115, %iota3A, %gather3A_438], %broadcast_in_dim3A_38 : memref<4x16x256xf32, #tpu.memory_space<vmem>>[vector<16xi32>, vector<16xi32>, vector<16xi32>], vector<16xf32>,
      } else {
      }
      %mul3A_120 = arith.constant 16 : i32
      %mul3A_121 = arith.muli %scan3A_109, %mul3A_120 : i32
      %add3A_122 = vector.broadcast %mul3A_121 : i32 to vector<16xi32>
      %add3A_123 = arith.addi %iota3A, %add3A_122 : vector<16xi32>
      %broadcast_in_dim3A_124 = arith.constant 19 : i32
      %broadcast_in_dim3A_125 = vector.broadcast %broadcast_in_dim3A_124 : i32 to vector<16xi32>
      %gather3A = tpu.vector_load_idx %arg7[%broadcast_in_dim3A_125, %add3A_123] : memref<20x256xi32, #tpu.memory_space<vmem>>[vector<16xi32>, vector<16xi32>], vector<16xi32>,
      %broadcast_in_dim3A_126 = arith.constant 18 : i32
      %broadcast_in_dim3A_127 = vector.broadcast %broadcast_in_dim3A_126 : i32 to vector<16xi32>
      %gather3A_128 = tpu.vector_load_idx %arg7[%broadcast_in_dim3A_127, %add3A_123] : memref<20x256xi32, #tpu.memory_space<vmem>>[vector<16xi32>, vector<16xi32>], vector<16xi32>,
      %broadcast_in_dim3A_129 = arith.constant 17 : i32
      %broadcast_in_dim3A_130 = vector.broadcast %broadcast_in_dim3A_129 : i32 to vector<16xi32>
      %gather3A_131 = tpu.vector_load_idx %arg7[%broadcast_in_dim3A_130, %add3A_123] : memref<20x256xi32, #tpu.memory_space<vmem>>[vector<16xi32>, vector<16xi32>], vector<16xi32>,
      %broadcast_in_dim3A_132 = arith.constant 16 : i32
      %broadcast_in_dim3A_133 = vector.broadcast %broadcast_in_dim3A_132 : i32 to vector<16xi32>
      %gather3A_134 = tpu.vector_load_idx %arg7[%broadcast_in_dim3A_133, %add3A_123] : memref<20x256xi32, #tpu.memory_space<vmem>>[vector<16xi32>, vector<16xi32>], vector<16xi32>,
      %broadcast_in_dim3A_135 = arith.constant 15 : i32
      %broadcast_in_dim3A_136 = vector.broadcast %broadcast_in_dim3A_135 : i32 to vector<16xi32>
      %gather3A_137 = tpu.vector_load_idx %arg7[%broadcast_in_dim3A_136, %add3A_123] : memref<20x256xi32, #tpu.memory_space<vmem>>[vector<16xi32>, vector<16xi32>], vector<16xi32>,
      %broadcast_in_dim3A_138 = arith.constant 14 : i32
      %broadcast_in_dim3A_139 = vector.broadcast %broadcast_in_dim3A_138 : i32 to vector<16xi32>
      %gather3A_140 = tpu.vector_load_idx %arg7[%broadcast_in_dim3A_139, %add3A_123] : memref<20x256xi32, #tpu.memory_space<vmem>>[vector<16xi32>, vector<16xi32>], vector<16xi32>,
      %broadcast_in_dim3A_141 = arith.constant 13 : i32
      %broadcast_in_dim3A_142 = vector.broadcast %broadcast_in_dim3A_141 : i32 to vector<16xi32>
      %gather3A_143 = tpu.vector_load_idx %arg7[%broadcast_in_dim3A_142, %add3A_123] : memref<20x256xi32, #tpu.memory_space<vmem>>[vector<16xi32>, vector<16xi32>], vector<16xi32>,
      %broadcast_in_dim3A_144 = arith.constant 12 : i32
      %broadcast_in_dim3A_145 = vector.broadcast %broadcast_in_dim3A_144 : i32 to vector<16xi32>
      %gather3A_146 = tpu.vector_load_idx %arg7[%broadcast_in_dim3A_145, %add3A_123] : memref<20x256xi32, #tpu.memory_space<vmem>>[vector<16xi32>, vector<16xi32>], vector<16xi32>,
      %broadcast_in_dim3A_147 = arith.constant 11 : i32
      %broadcast_in_dim3A_148 = vector.broadcast %broadcast_in_dim3A_147 : i32 to vector<16xi32>
      %gather3A_149 = tpu.vector_load_idx %arg7[%broadcast_in_dim3A_148, %add3A_123] : memref<20x256xi32, #tpu.memory_space<vmem>>[vector<16xi32>, vector<16xi32>], vector<16xi32>,
      %broadcast_in_dim3A_150 = arith.constant 10 : i32
      %broadcast_in_dim3A_151 = vector.broadcast %broadcast_in_dim3A_150 : i32 to vector<16xi32>
      %gather3A_152 = tpu.vector_load_idx %arg7[%broadcast_in_dim3A_151, %add3A_123] : memref<20x256xi32, #tpu.memory_space<vmem>>[vector<16xi32>, vector<16xi32>], vector<16xi32>,
      %broadcast_in_dim3A_153 = arith.constant 9 : i32
      %broadcast_in_dim3A_154 = vector.broadcast %broadcast_in_dim3A_153 : i32 to vector<16xi32>
      %gather3A_155 = tpu.vector_load_idx %arg7[%broadcast_in_dim3A_154, %add3A_123] : memref<20x256xi32, #tpu.memory_space<vmem>>[vector<16xi32>, vector<16xi32>], vector<16xi32>,
      %broadcast_in_dim3A_156 = arith.constant 8 : i32
      %broadcast_in_dim3A_157 = vector.broadcast %broadcast_in_dim3A_156 : i32 to vector<16xi32>
      %gather3A_158 = tpu.vector_load_idx %arg7[%broadcast_in_dim3A_157, %add3A_123] : memref<20x256xi32, #tpu.memory_space<vmem>>[vector<16xi32>, vector<16xi32>], vector<16xi32>,
      %broadcast_in_dim3A_159 = arith.constant 7 : i32
      %broadcast_in_dim3A_160 = vector.broadcast %broadcast_in_dim3A_159 : i32 to vector<16xi32>
      %gather3A_161 = tpu.vector_load_idx %arg7[%broadcast_in_dim3A_160, %add3A_123] : memref<20x256xi32, #tpu.memory_space<vmem>>[vector<16xi32>, vector<16xi32>], vector<16xi32>,
      %broadcast_in_dim3A_162 = arith.constant 6 : i32
      %broadcast_in_dim3A_163 = vector.broadcast %broadcast_in_dim3A_162 : i32 to vector<16xi32>
      %gather3A_164 = tpu.vector_load_idx %arg7[%broadcast_in_dim3A_163, %add3A_123] : memref<20x256xi32, #tpu.memory_space<vmem>>[vector<16xi32>, vector<16xi32>], vector<16xi32>,
      %broadcast_in_dim3A_165 = arith.constant 5 : i32
      %broadcast_in_dim3A_166 = vector.broadcast %broadcast_in_dim3A_165 : i32 to vector<16xi32>
      %gather3A_167 = tpu.vector_load_idx %arg7[%broadcast_in_dim3A_166, %add3A_123] : memref<20x256xi32, #tpu.memory_space<vmem>>[vector<16xi32>, vector<16xi32>], vector<16xi32>,
      %broadcast_in_dim3A_168 = arith.constant 4 : i32
      %broadcast_in_dim3A_169 = vector.broadcast %broadcast_in_dim3A_168 : i32 to vector<16xi32>
      %gather3A_170 = tpu.vector_load_idx %arg7[%broadcast_in_dim3A_169, %add3A_123] : memref<20x256xi32, #tpu.memory_space<vmem>>[vector<16xi32>, vector<16xi32>], vector<16xi32>,
      %broadcast_in_dim3A_171 = arith.constant 3 : i32
      %broadcast_in_dim3A_172 = vector.broadcast %broadcast_in_dim3A_171 : i32 to vector<16xi32>
      %gather3A_173 = tpu.vector_load_idx %arg7[%broadcast_in_dim3A_172, %add3A_123] : memref<20x256xi32, #tpu.memory_space<vmem>>[vector<16xi32>, vector<16xi32>], vector<16xi32>,
      %broadcast_in_dim3A_174 = arith.constant 2 : i32
      %broadcast_in_dim3A_175 = vector.broadcast %broadcast_in_dim3A_174 : i32 to vector<16xi32>
      %gather3A_176 = tpu.vector_load_idx %arg7[%broadcast_in_dim3A_175, %add3A_123] : memref<20x256xi32, #tpu.memory_space<vmem>>[vector<16xi32>, vector<16xi32>], vector<16xi32>,
      %broadcast_in_dim3A_177 = arith.constant 1 : i32
      %broadcast_in_dim3A_178 = vector.broadcast %broadcast_in_dim3A_177 : i32 to vector<16xi32>
      %gather3A_179 = tpu.vector_load_idx %arg7[%broadcast_in_dim3A_178, %add3A_123] : memref<20x256xi32, #tpu.memory_space<vmem>>[vector<16xi32>, vector<16xi32>], vector<16xi32>,
      %broadcast_in_dim3A_180 = arith.constant 0 : i32
      %broadcast_in_dim3A_181 = vector.broadcast %broadcast_in_dim3A_180 : i32 to vector<16xi32>
      %gather3A_182 = tpu.vector_load_idx %arg7[%broadcast_in_dim3A_181, %add3A_123] : memref<20x256xi32, #tpu.memory_space<vmem>>[vector<16xi32>, vector<16xi32>], vector<16xi32>,
      %ne3A_183 = arith.constant 0 : i32
      %ne3A_184 = vector.broadcast %ne3A_183 : i32 to vector<16xi32>
      %ne3A_185 = arith.cmpi ne, %gather3A, %ne3A_184 : vector<16xi32>
      %select_n3A_186 = arith.select %ne3A_185, %broadcast_in_dim3A, %broadcast_in_dim3A_40 : vector<16xi1>, vector<16xf32>
      %ne3A_187 = arith.constant 0 : i32
      %ne3A_188 = vector.broadcast %ne3A_187 : i32 to vector<16xi32>
      %ne3A_189 = arith.cmpi ne, %gather3A_128, %ne3A_188 : vector<16xi32>
      %select_n3A_190 = arith.select %ne3A_189, %broadcast_in_dim3A, %broadcast_in_dim3A_40 : vector<16xi1>, vector<16xf32>
      %ne3A_191 = arith.constant 0 : i32
      %ne3A_192 = vector.broadcast %ne3A_191 : i32 to vector<16xi32>
      %ne3A_193 = arith.cmpi ne, %gather3A_131, %ne3A_192 : vector<16xi32>
      %select_n3A_194 = arith.select %ne3A_193, %broadcast_in_dim3A, %broadcast_in_dim3A_40 : vector<16xi1>, vector<16xf32>
      %ne3A_195 = arith.constant 0 : i32
      %ne3A_196 = vector.broadcast %ne3A_195 : i32 to vector<16xi32>
      %ne3A_197 = arith.cmpi ne, %gather3A_134, %ne3A_196 : vector<16xi32>
      %select_n3A_198 = arith.select %ne3A_197, %broadcast_in_dim3A, %broadcast_in_dim3A_40 : vector<16xi1>, vector<16xf32>
      %ne3A_199 = arith.constant 0 : i32
      %ne3A_200 = vector.broadcast %ne3A_199 : i32 to vector<16xi32>
      %ne3A_201 = arith.cmpi ne, %gather3A_137, %ne3A_200 : vector<16xi32>
      %select_n3A_202 = arith.select %ne3A_201, %broadcast_in_dim3A, %broadcast_in_dim3A_40 : vector<16xi1>, vector<16xf32>
      %ne3A_203 = arith.constant 0 : i32
      %ne3A_204 = vector.broadcast %ne3A_203 : i32 to vector<16xi32>
      %ne3A_205 = arith.cmpi ne, %gather3A_140, %ne3A_204 : vector<16xi32>
      %select_n3A_206 = arith.select %ne3A_205, %broadcast_in_dim3A, %broadcast_in_dim3A_40 : vector<16xi1>, vector<16xf32>
      %ne3A_207 = arith.constant 0 : i32
      %ne3A_208 = vector.broadcast %ne3A_207 : i32 to vector<16xi32>
      %ne3A_209 = arith.cmpi ne, %gather3A_143, %ne3A_208 : vector<16xi32>
      %select_n3A_210 = arith.select %ne3A_209, %broadcast_in_dim3A, %broadcast_in_dim3A_40 : vector<16xi1>, vector<16xf32>
      %ne3A_211 = arith.constant 0 : i32
      %ne3A_212 = vector.broadcast %ne3A_211 : i32 to vector<16xi32>
      %ne3A_213 = arith.cmpi ne, %gather3A_146, %ne3A_212 : vector<16xi32>
      %select_n3A_214 = arith.select %ne3A_213, %broadcast_in_dim3A, %broadcast_in_dim3A_40 : vector<16xi1>, vector<16xf32>
      %ne3A_215 = arith.constant 0 : i32
      %ne3A_216 = vector.broadcast %ne3A_215 : i32 to vector<16xi32>
      %ne3A_217 = arith.cmpi ne, %gather3A_149, %ne3A_216 : vector<16xi32>
      %select_n3A_218 = arith.select %ne3A_217, %broadcast_in_dim3A, %broadcast_in_dim3A_40 : vector<16xi1>, vector<16xf32>
      %ne3A_219 = arith.constant 0 : i32
      %ne3A_220 = vector.broadcast %ne3A_219 : i32 to vector<16xi32>
      %ne3A_221 = arith.cmpi ne, %gather3A_152, %ne3A_220 : vector<16xi32>
      %select_n3A_222 = arith.select %ne3A_221, %broadcast_in_dim3A, %broadcast_in_dim3A_40 : vector<16xi1>, vector<16xf32>
      %ne3A_223 = arith.constant 0 : i32
      %ne3A_224 = vector.broadcast %ne3A_223 : i32 to vector<16xi32>
      %ne3A_225 = arith.cmpi ne, %gather3A_155, %ne3A_224 : vector<16xi32>
      %select_n3A_226 = arith.select %ne3A_225, %broadcast_in_dim3A, %broadcast_in_dim3A_40 : vector<16xi1>, vector<16xf32>
      %ne3A_227 = arith.constant 0 : i32
      %ne3A_228 = vector.broadcast %ne3A_227 : i32 to vector<16xi32>
      %ne3A_229 = arith.cmpi ne, %gather3A_158, %ne3A_228 : vector<16xi32>
      %select_n3A_230 = arith.select %ne3A_229, %broadcast_in_dim3A, %broadcast_in_dim3A_40 : vector<16xi1>, vector<16xf32>
      %ne3A_231 = arith.constant 0 : i32
      %ne3A_232 = vector.broadcast %ne3A_231 : i32 to vector<16xi32>
      %ne3A_233 = arith.cmpi ne, %gather3A_161, %ne3A_232 : vector<16xi32>
      %select_n3A_234 = arith.select %ne3A_233, %broadcast_in_dim3A, %broadcast_in_dim3A_40 : vector<16xi1>, vector<16xf32>
      %ne3A_235 = arith.constant 0 : i32
      %ne3A_236 = vector.broadcast %ne3A_235 : i32 to vector<16xi32>
      %ne3A_237 = arith.cmpi ne, %gather3A_164, %ne3A_236 : vector<16xi32>
      %select_n3A_238 = arith.select %ne3A_237, %broadcast_in_dim3A, %broadcast_in_dim3A_40 : vector<16xi1>, vector<16xf32>
      %ne3A_239 = arith.constant 0 : i32
      %ne3A_240 = vector.broadcast %ne3A_239 : i32 to vector<16xi32>
      %ne3A_241 = arith.cmpi ne, %gather3A_167, %ne3A_240 : vector<16xi32>
      %select_n3A_242 = arith.select %ne3A_241, %broadcast_in_dim3A, %broadcast_in_dim3A_40 : vector<16xi1>, vector<16xf32>
      %ne3A_243 = arith.constant 0 : i32
      %ne3A_244 = vector.broadcast %ne3A_243 : i32 to vector<16xi32>
      %ne3A_245 = arith.cmpi ne, %gather3A_170, %ne3A_244 : vector<16xi32>
      %select_n3A_246 = arith.select %ne3A_245, %broadcast_in_dim3A, %broadcast_in_dim3A_40 : vector<16xi1>, vector<16xf32>
      %ne3A_247 = arith.constant 0 : i32
      %ne3A_248 = vector.broadcast %ne3A_247 : i32 to vector<16xi32>
      %ne3A_249 = arith.cmpi ne, %gather3A_173, %ne3A_248 : vector<16xi32>
      %select_n3A_250 = arith.select %ne3A_249, %broadcast_in_dim3A, %broadcast_in_dim3A_40 : vector<16xi1>, vector<16xf32>
      %ne3A_251 = arith.constant 0 : i32
      %ne3A_252 = vector.broadcast %ne3A_251 : i32 to vector<16xi32>
      %ne3A_253 = arith.cmpi ne, %gather3A_176, %ne3A_252 : vector<16xi32>
      %select_n3A_254 = arith.select %ne3A_253, %broadcast_in_dim3A, %broadcast_in_dim3A_40 : vector<16xi1>, vector<16xf32>
      %ne3A_255 = arith.constant 0 : i32
      %ne3A_256 = vector.broadcast %ne3A_255 : i32 to vector<16xi32>
      %ne3A_257 = arith.cmpi ne, %gather3A_179, %ne3A_256 : vector<16xi32>
      %select_n3A_258 = arith.select %ne3A_257, %broadcast_in_dim3A, %broadcast_in_dim3A_40 : vector<16xi1>, vector<16xf32>
      %ne3A_259 = arith.constant 0 : i32
      %ne3A_260 = vector.broadcast %ne3A_259 : i32 to vector<16xi32>
      %ne3A_261 = arith.cmpi ne, %gather3A_182, %ne3A_260 : vector<16xi32>
      %select_n3A_262 = arith.select %ne3A_261, %broadcast_in_dim3A, %broadcast_in_dim3A_40 : vector<16xi1>, vector<16xf32>
      %ne3A_263 = arith.constant 0 : i32
      %ne3A_264 = vector.broadcast %ne3A_263 : i32 to vector<16xi32>
      %ne3A_265 = arith.cmpi ne, %gather3A, %ne3A_264 : vector<16xi32>
      tpu.vector_store_idx %arg10[%add3A_115, %iota3A, %gather3A], %broadcast_in_dim3A_40 masked %ne3A_265 {add = true} : memref<4x16x256xf32, #tpu.memory_space<vmem>>[vector<16xi32>, vector<16xi32>, vector<16xi32>], vector<16xf32>, vector<16xi1>
      %mul3A_266 = arith.mulf %broadcast_in_dim3A_40, %select_n3A_186 : vector<16xf32>
      %ne3A_267 = arith.constant 0 : i32
      %ne3A_268 = vector.broadcast %ne3A_267 : i32 to vector<16xi32>
      %ne3A_269 = arith.cmpi ne, %gather3A_128, %ne3A_268 : vector<16xi32>
      tpu.vector_store_idx %arg10[%add3A_115, %iota3A, %gather3A_128], %mul3A_266 masked %ne3A_269 {add = true} : memref<4x16x256xf32, #tpu.memory_space<vmem>>[vector<16xi32>, vector<16xi32>, vector<16xi32>], vector<16xf32>, vector<16xi1>
      %mul3A_270 = arith.mulf %mul3A_266, %select_n3A_190 : vector<16xf32>
      %ne3A_271 = arith.constant 0 : i32
      %ne3A_272 = vector.broadcast %ne3A_271 : i32 to vector<16xi32>
      %ne3A_273 = arith.cmpi ne, %gather3A_131, %ne3A_272 : vector<16xi32>
      tpu.vector_store_idx %arg10[%add3A_115, %iota3A, %gather3A_131], %mul3A_270 masked %ne3A_273 {add = true} : memref<4x16x256xf32, #tpu.memory_space<vmem>>[vector<16xi32>, vector<16xi32>, vector<16xi32>], vector<16xf32>, vector<16xi1>
      %mul3A_274 = arith.mulf %mul3A_270, %select_n3A_194 : vector<16xf32>
      %ne3A_275 = arith.constant 0 : i32
      %ne3A_276 = vector.broadcast %ne3A_275 : i32 to vector<16xi32>
      %ne3A_277 = arith.cmpi ne, %gather3A_134, %ne3A_276 : vector<16xi32>
      tpu.vector_store_idx %arg10[%add3A_115, %iota3A, %gather3A_134], %mul3A_274 masked %ne3A_277 {add = true} : memref<4x16x256xf32, #tpu.memory_space<vmem>>[vector<16xi32>, vector<16xi32>, vector<16xi32>], vector<16xf32>, vector<16xi1>
      %mul3A_278 = arith.mulf %mul3A_274, %select_n3A_198 : vector<16xf32>
      %ne3A_279 = arith.constant 0 : i32
      %ne3A_280 = vector.broadcast %ne3A_279 : i32 to vector<16xi32>
      %ne3A_281 = arith.cmpi ne, %gather3A_137, %ne3A_280 : vector<16xi32>
      tpu.vector_store_idx %arg10[%add3A_115, %iota3A, %gather3A_137], %mul3A_278 masked %ne3A_281 {add = true} : memref<4x16x256xf32, #tpu.memory_space<vmem>>[vector<16xi32>, vector<16xi32>, vector<16xi32>], vector<16xf32>, vector<16xi1>
      %mul3A_282 = arith.mulf %mul3A_278, %select_n3A_202 : vector<16xf32>
      %ne3A_283 = arith.constant 0 : i32
      %ne3A_284 = vector.broadcast %ne3A_283 : i32 to vector<16xi32>
      %ne3A_285 = arith.cmpi ne, %gather3A_140, %ne3A_284 : vector<16xi32>
      tpu.vector_store_idx %arg10[%add3A_115, %iota3A, %gather3A_140], %mul3A_282 masked %ne3A_285 {add = true} : memref<4x16x256xf32, #tpu.memory_space<vmem>>[vector<16xi32>, vector<16xi32>, vector<16xi32>], vector<16xf32>, vector<16xi1>
      %mul3A_286 = arith.mulf %mul3A_282, %select_n3A_206 : vector<16xf32>
      %ne3A_287 = arith.constant 0 : i32
      %ne3A_288 = vector.broadcast %ne3A_287 : i32 to vector<16xi32>
      %ne3A_289 = arith.cmpi ne, %gather3A_143, %ne3A_288 : vector<16xi32>
      tpu.vector_store_idx %arg10[%add3A_115, %iota3A, %gather3A_143], %mul3A_286 masked %ne3A_289 {add = true} : memref<4x16x256xf32, #tpu.memory_space<vmem>>[vector<16xi32>, vector<16xi32>, vector<16xi32>], vector<16xf32>, vector<16xi1>
      %mul3A_290 = arith.mulf %mul3A_286, %select_n3A_210 : vector<16xf32>
      %ne3A_291 = arith.constant 0 : i32
      %ne3A_292 = vector.broadcast %ne3A_291 : i32 to vector<16xi32>
      %ne3A_293 = arith.cmpi ne, %gather3A_146, %ne3A_292 : vector<16xi32>
      tpu.vector_store_idx %arg10[%add3A_115, %iota3A, %gather3A_146], %mul3A_290 masked %ne3A_293 {add = true} : memref<4x16x256xf32, #tpu.memory_space<vmem>>[vector<16xi32>, vector<16xi32>, vector<16xi32>], vector<16xf32>, vector<16xi1>
      %mul3A_294 = arith.mulf %mul3A_290, %select_n3A_214 : vector<16xf32>
      %ne3A_295 = arith.constant 0 : i32
      %ne3A_296 = vector.broadcast %ne3A_295 : i32 to vector<16xi32>
      %ne3A_297 = arith.cmpi ne, %gather3A_149, %ne3A_296 : vector<16xi32>
      tpu.vector_store_idx %arg10[%add3A_115, %iota3A, %gather3A_149], %mul3A_294 masked %ne3A_297 {add = true} : memref<4x16x256xf32, #tpu.memory_space<vmem>>[vector<16xi32>, vector<16xi32>, vector<16xi32>], vector<16xf32>, vector<16xi1>
      %mul3A_298 = arith.mulf %mul3A_294, %select_n3A_218 : vector<16xf32>
      %ne3A_299 = arith.constant 0 : i32
      %ne3A_300 = vector.broadcast %ne3A_299 : i32 to vector<16xi32>
      %ne3A_301 = arith.cmpi ne, %gather3A_152, %ne3A_300 : vector<16xi32>
      tpu.vector_store_idx %arg10[%add3A_115, %iota3A, %gather3A_152], %mul3A_298 masked %ne3A_301 {add = true} : memref<4x16x256xf32, #tpu.memory_space<vmem>>[vector<16xi32>, vector<16xi32>, vector<16xi32>], vector<16xf32>, vector<16xi1>
      %mul3A_302 = arith.mulf %mul3A_298, %select_n3A_222 : vector<16xf32>
      %ne3A_303 = arith.constant 0 : i32
      %ne3A_304 = vector.broadcast %ne3A_303 : i32 to vector<16xi32>
      %ne3A_305 = arith.cmpi ne, %gather3A_155, %ne3A_304 : vector<16xi32>
      tpu.vector_store_idx %arg10[%add3A_115, %iota3A, %gather3A_155], %mul3A_302 masked %ne3A_305 {add = true} : memref<4x16x256xf32, #tpu.memory_space<vmem>>[vector<16xi32>, vector<16xi32>, vector<16xi32>], vector<16xf32>, vector<16xi1>
      %mul3A_306 = arith.mulf %mul3A_302, %select_n3A_226 : vector<16xf32>
      %ne3A_307 = arith.constant 0 : i32
      %ne3A_308 = vector.broadcast %ne3A_307 : i32 to vector<16xi32>
      %ne3A_309 = arith.cmpi ne, %gather3A_158, %ne3A_308 : vector<16xi32>
      tpu.vector_store_idx %arg10[%add3A_115, %iota3A, %gather3A_158], %mul3A_306 masked %ne3A_309 {add = true} : memref<4x16x256xf32, #tpu.memory_space<vmem>>[vector<16xi32>, vector<16xi32>, vector<16xi32>], vector<16xf32>, vector<16xi1>
      %mul3A_310 = arith.mulf %mul3A_306, %select_n3A_230 : vector<16xf32>
      %ne3A_311 = arith.constant 0 : i32
      %ne3A_312 = vector.broadcast %ne3A_311 : i32 to vector<16xi32>
      %ne3A_313 = arith.cmpi ne, %gather3A_161, %ne3A_312 : vector<16xi32>
      tpu.vector_store_idx %arg10[%add3A_115, %iota3A, %gather3A_161], %mul3A_310 masked %ne3A_313 {add = true} : memref<4x16x256xf32, #tpu.memory_space<vmem>>[vector<16xi32>, vector<16xi32>, vector<16xi32>], vector<16xf32>, vector<16xi1>
      %mul3A_314 = arith.mulf %mul3A_310, %select_n3A_234 : vector<16xf32>
      %ne3A_315 = arith.constant 0 : i32
      %ne3A_316 = vector.broadcast %ne3A_315 : i32 to vector<16xi32>
      %ne3A_317 = arith.cmpi ne, %gather3A_164, %ne3A_316 : vector<16xi32>
      tpu.vector_store_idx %arg10[%add3A_115, %iota3A, %gather3A_164], %mul3A_314 masked %ne3A_317 {add = true} : memref<4x16x256xf32, #tpu.memory_space<vmem>>[vector<16xi32>, vector<16xi32>, vector<16xi32>], vector<16xf32>, vector<16xi1>
      %mul3A_318 = arith.mulf %mul3A_314, %select_n3A_238 : vector<16xf32>
      %ne3A_319 = arith.constant 0 : i32
      %ne3A_320 = vector.broadcast %ne3A_319 : i32 to vector<16xi32>
      %ne3A_321 = arith.cmpi ne, %gather3A_167, %ne3A_320 : vector<16xi32>
      tpu.vector_store_idx %arg10[%add3A_115, %iota3A, %gather3A_167], %mul3A_318 masked %ne3A_321 {add = true} : memref<4x16x256xf32, #tpu.memory_space<vmem>>[vector<16xi32>, vector<16xi32>, vector<16xi32>], vector<16xf32>, vector<16xi1>
      %mul3A_322 = arith.mulf %mul3A_318, %select_n3A_242 : vector<16xf32>
      %ne3A_323 = arith.constant 0 : i32
      %ne3A_324 = vector.broadcast %ne3A_323 : i32 to vector<16xi32>
      %ne3A_325 = arith.cmpi ne, %gather3A_170, %ne3A_324 : vector<16xi32>
      tpu.vector_store_idx %arg10[%add3A_115, %iota3A, %gather3A_170], %mul3A_322 masked %ne3A_325 {add = true} : memref<4x16x256xf32, #tpu.memory_space<vmem>>[vector<16xi32>, vector<16xi32>, vector<16xi32>], vector<16xf32>, vector<16xi1>
      %mul3A_326 = arith.mulf %mul3A_322, %select_n3A_246 : vector<16xf32>
      %ne3A_327 = arith.constant 0 : i32
      %ne3A_328 = vector.broadcast %ne3A_327 : i32 to vector<16xi32>
      %ne3A_329 = arith.cmpi ne, %gather3A_173, %ne3A_328 : vector<16xi32>
      tpu.vector_store_idx %arg10[%add3A_115, %iota3A, %gather3A_173], %mul3A_326 masked %ne3A_329 {add = true} : memref<4x16x256xf32, #tpu.memory_space<vmem>>[vector<16xi32>, vector<16xi32>, vector<16xi32>], vector<16xf32>, vector<16xi1>
      %mul3A_330 = arith.mulf %mul3A_326, %select_n3A_250 : vector<16xf32>
      %ne3A_331 = arith.constant 0 : i32
      %ne3A_332 = vector.broadcast %ne3A_331 : i32 to vector<16xi32>
      %ne3A_333 = arith.cmpi ne, %gather3A_176, %ne3A_332 : vector<16xi32>
      tpu.vector_store_idx %arg10[%add3A_115, %iota3A, %gather3A_176], %mul3A_330 masked %ne3A_333 {add = true} : memref<4x16x256xf32, #tpu.memory_space<vmem>>[vector<16xi32>, vector<16xi32>, vector<16xi32>], vector<16xf32>, vector<16xi1>
      %mul3A_334 = arith.mulf %mul3A_330, %select_n3A_254 : vector<16xf32>
      %ne3A_335 = arith.constant 0 : i32
      %ne3A_336 = vector.broadcast %ne3A_335 : i32 to vector<16xi32>
      %ne3A_337 = arith.cmpi ne, %gather3A_179, %ne3A_336 : vector<16xi32>
      tpu.vector_store_idx %arg10[%add3A_115, %iota3A, %gather3A_179], %mul3A_334 masked %ne3A_337 {add = true} : memref<4x16x256xf32, #tpu.memory_space<vmem>>[vector<16xi32>, vector<16xi32>, vector<16xi32>], vector<16xf32>, vector<16xi1>
      %mul3A_338 = arith.mulf %mul3A_334, %select_n3A_258 : vector<16xf32>
      %ne3A_339 = arith.constant 0 : i32
      %ne3A_340 = vector.broadcast %ne3A_339 : i32 to vector<16xi32>
      %ne3A_341 = arith.cmpi ne, %gather3A_182, %ne3A_340 : vector<16xi32>
      tpu.vector_store_idx %arg10[%add3A_115, %iota3A, %gather3A_182], %mul3A_338 masked %ne3A_341 {add = true} : memref<4x16x256xf32, #tpu.memory_space<vmem>>[vector<16xi32>, vector<16xi32>, vector<16xi32>], vector<16xf32>, vector<16xi1>
      %mul3A_342 = arith.mulf %mul3A_338, %select_n3A_262 : vector<16xf32>
      %mul3A_343 = arith.constant 16 : i32
      %mul3A_344 = arith.muli %scan3A_109, %mul3A_343 : i32
      %add3A_345 = arith.addi %mul3A_32, %mul3A_344 : i32
      %dma_start3A = arith.constant 0 : i32
      %dma_start3A_346 = arith.constant 0 : i32
      %dma_start3A_347 = tpu.memref_slice %arg10[%and3A_111, %dma_start3A, %dma_start3A_346] : memref<4x16x256xf32, #tpu.memory_space<vmem>> -> memref<1x16x256xf32, #tpu.memory_space<vmem>>
      %dma_start3A_348 = tpu.memref_squeeze %dma_start3A_347 : memref<1x16x256xf32, #tpu.memory_space<vmem>> -> memref<16x256xf32, #tpu.memory_space<vmem>>
      %dma_start3A_349 = arith.constant 0 : i32
      %dma_start3A_350 = tpu.memref_slice %arg5[%select_n3A, %add3A_345, %dma_start3A_349] : memref<16x512x256xf32, #tpu.memory_space<hbm>> -> memref<1x16x256xf32, #tpu.memory_space<hbm>>
      %dma_start3A_351 = tpu.memref_squeeze %dma_start3A_350 : memref<1x16x256xf32, #tpu.memory_space<hbm>> -> memref<16x256xf32, #tpu.memory_space<hbm>>
      %dma_start3A_352 = arith.constant 0 : i32
      %dma_start3A_353 = tpu.memref_slice %arg5[%select_n3A, %add3A_345, %dma_start3A_352] : memref<16x512x256xf32, #tpu.memory_space<hbm>> -> memref<1x16x256xf32, #tpu.memory_space<hbm>>
      %dma_start3A_354 = tpu.memref_squeeze %dma_start3A_353 : memref<1x16x256xf32, #tpu.memory_space<hbm>> -> memref<16x256xf32, #tpu.memory_space<hbm>>
      %dma_start3A_355 = arith.constant 0 : i32
      %dma_start3A_356 = arith.constant 0 : i32
      %dma_start3A_357 = tpu.memref_slice %arg10[%and3A_111, %dma_start3A_355, %dma_start3A_356] : memref<4x16x256xf32, #tpu.memory_space<vmem>> -> memref<1x16x256xf32, #tpu.memory_space<vmem>>
      %dma_start3A_358 = tpu.memref_squeeze %dma_start3A_357 : memref<1x16x256xf32, #tpu.memory_space<vmem>> -> memref<16x256xf32, #tpu.memory_space<vmem>>
      tpu.enqueue_dma source(%dma_start3A_358 : memref<16x256xf32, #tpu.memory_space<vmem>>) target(%dma_start3A_354 : memref<16x256xf32, #tpu.memory_space<hbm>>) target_semaphore(%arg11 : memref<!tpu.dma_semaphore, #tpu.memory_space<semaphore_mem>>)
    }
    %scan3A_49 = arith.constant 16 : i32
    %dma_wait3A = arith.constant 0 : i32
    %dma_wait3A_50 = arith.constant 0 : i32
    %dma_wait3A_51 = arith.constant 0 : i32
    %dma_wait3A_52 = tpu.memref_slice %arg10[%dma_wait3A, %dma_wait3A_50, %dma_wait3A_51] : memref<4x16x256xf32, #tpu.memory_space<vmem>> -> memref<1x16x256xf32, #tpu.memory_space<vmem>>
    %dma_wait3A_53 = tpu.memref_squeeze %dma_wait3A_52 : memref<1x16x256xf32, #tpu.memory_space<vmem>> -> memref<16x256xf32, #tpu.memory_space<vmem>>
    %dma_wait3A_54 = arith.constant 0 : i32
    %dma_wait3A_55 = tpu.memref_slice %arg5[%select_n3A, %mul3A_32, %dma_wait3A_54] : memref<16x512x256xf32, #tpu.memory_space<hbm>> -> memref<1x16x256xf32, #tpu.memory_space<hbm>>
    %dma_wait3A_56 = tpu.memref_squeeze %dma_wait3A_55 : memref<1x16x256xf32, #tpu.memory_space<hbm>> -> memref<16x256xf32, #tpu.memory_space<hbm>>
    %dma_wait3A_57 = arith.constant 0 : i32
    %dma_wait3A_58 = tpu.memref_slice %arg5[%select_n3A, %mul3A_32, %dma_wait3A_57] : memref<16x512x256xf32, #tpu.memory_space<hbm>> -> memref<1x16x256xf32, #tpu.memory_space<hbm>>
    %dma_wait3A_59 = tpu.memref_squeeze %dma_wait3A_58 : memref<1x16x256xf32, #tpu.memory_space<hbm>> -> memref<16x256xf32, #tpu.memory_space<hbm>>
    %dma_wait3A_60 = arith.constant 0 : i32
    %dma_wait3A_61 = arith.constant 0 : i32
    %dma_wait3A_62 = tpu.memref_slice %arg10[%dma_wait3A, %dma_wait3A_60, %dma_wait3A_61] : memref<4x16x256xf32, #tpu.memory_space<vmem>> -> memref<1x16x256xf32, #tpu.memory_space<vmem>>
    %dma_wait3A_63 = tpu.memref_squeeze %dma_wait3A_62 : memref<1x16x256xf32, #tpu.memory_space<vmem>> -> memref<16x256xf32, #tpu.memory_space<vmem>>
    tpu.wait_dma2 semaphore(%arg11 : memref<!tpu.dma_semaphore, #tpu.memory_space<semaphore_mem>>) src(%dma_wait3A_63 : memref<16x256xf32, #tpu.memory_space<vmem>>) dst(%dma_wait3A_59 : memref<16x256xf32, #tpu.memory_space<hbm>>)
    %dma_wait3A_64 = arith.constant 0 : i32
    %dma_wait3A_65 = arith.constant 0 : i32
    %dma_wait3A_66 = arith.constant 0 : i32
    %dma_wait3A_67 = tpu.memref_slice %arg10[%dma_wait3A_64, %dma_wait3A_65, %dma_wait3A_66] : memref<4x16x256xf32, #tpu.memory_space<vmem>> -> memref<1x16x256xf32, #tpu.memory_space<vmem>>
    %dma_wait3A_68 = tpu.memref_squeeze %dma_wait3A_67 : memref<1x16x256xf32, #tpu.memory_space<vmem>> -> memref<16x256xf32, #tpu.memory_space<vmem>>
    %dma_wait3A_69 = arith.constant 0 : i32
    %dma_wait3A_70 = tpu.memref_slice %arg5[%select_n3A, %mul3A_32, %dma_wait3A_69] : memref<16x512x256xf32, #tpu.memory_space<hbm>> -> memref<1x16x256xf32, #tpu.memory_space<hbm>>
    %dma_wait3A_71 = tpu.memref_squeeze %dma_wait3A_70 : memref<1x16x256xf32, #tpu.memory_space<hbm>> -> memref<16x256xf32, #tpu.memory_space<hbm>>
    %dma_wait3A_72 = arith.constant 0 : i32
    %dma_wait3A_73 = tpu.memref_slice %arg5[%select_n3A, %mul3A_32, %dma_wait3A_72] : memref<16x512x256xf32, #tpu.memory_space<hbm>> -> memref<1x16x256xf32, #tpu.memory_space<hbm>>
    %dma_wait3A_74 = tpu.memref_squeeze %dma_wait3A_73 : memref<1x16x256xf32, #tpu.memory_space<hbm>> -> memref<16x256xf32, #tpu.memory_space<hbm>>
    %dma_wait3A_75 = arith.constant 0 : i32
    %dma_wait3A_76 = arith.constant 0 : i32
    %dma_wait3A_77 = tpu.memref_slice %arg10[%dma_wait3A_64, %dma_wait3A_75, %dma_wait3A_76] : memref<4x16x256xf32, #tpu.memory_space<vmem>> -> memref<1x16x256xf32, #tpu.memory_space<vmem>>
    %dma_wait3A_78 = tpu.memref_squeeze %dma_wait3A_77 : memref<1x16x256xf32, #tpu.memory_space<vmem>> -> memref<16x256xf32, #tpu.memory_space<vmem>>
    tpu.wait_dma2 semaphore(%arg11 : memref<!tpu.dma_semaphore, #tpu.memory_space<semaphore_mem>>) src(%dma_wait3A_78 : memref<16x256xf32, #tpu.memory_space<vmem>>) dst(%dma_wait3A_74 : memref<16x256xf32, #tpu.memory_space<hbm>>)
    %dma_wait3A_79 = arith.constant 0 : i32
    %dma_wait3A_80 = arith.constant 0 : i32
    %dma_wait3A_81 = arith.constant 0 : i32
    %dma_wait3A_82 = tpu.memref_slice %arg10[%dma_wait3A_79, %dma_wait3A_80, %dma_wait3A_81] : memref<4x16x256xf32, #tpu.memory_space<vmem>> -> memref<1x16x256xf32, #tpu.memory_space<vmem>>
    %dma_wait3A_83 = tpu.memref_squeeze %dma_wait3A_82 : memref<1x16x256xf32, #tpu.memory_space<vmem>> -> memref<16x256xf32, #tpu.memory_space<vmem>>
    %dma_wait3A_84 = arith.constant 0 : i32
    %dma_wait3A_85 = tpu.memref_slice %arg5[%select_n3A, %mul3A_32, %dma_wait3A_84] : memref<16x512x256xf32, #tpu.memory_space<hbm>> -> memref<1x16x256xf32, #tpu.memory_space<hbm>>
    %dma_wait3A_86 = tpu.memref_squeeze %dma_wait3A_85 : memref<1x16x256xf32, #tpu.memory_space<hbm>> -> memref<16x256xf32, #tpu.memory_space<hbm>>
    %dma_wait3A_87 = arith.constant 0 : i32
    %dma_wait3A_88 = tpu.memref_slice %arg5[%select_n3A, %mul3A_32, %dma_wait3A_87] : memref<16x512x256xf32, #tpu.memory_space<hbm>> -> memref<1x16x256xf32, #tpu.memory_space<hbm>>
    %dma_wait3A_89 = tpu.memref_squeeze %dma_wait3A_88 : memref<1x16x256xf32, #tpu.memory_space<hbm>> -> memref<16x256xf32, #tpu.memory_space<hbm>>
    %dma_wait3A_90 = arith.constant 0 : i32
    %dma_wait3A_91 = arith.constant 0 : i32
    %dma_wait3A_92 = tpu.memref_slice %arg10[%dma_wait3A_79, %dma_wait3A_90, %dma_wait3A_91] : memref<4x16x256xf32, #tpu.memory_space<vmem>> -> memref<1x16x256xf32, #tpu.memory_space<vmem>>
    %dma_wait3A_93 = tpu.memref_squeeze %dma_wait3A_92 : memref<1x16x256xf32, #tpu.memory_space<vmem>> -> memref<16x256xf32, #tpu.memory_space<vmem>>
    tpu.wait_dma2 semaphore(%arg11 : memref<!tpu.dma_semaphore, #tpu.memory_space<semaphore_mem>>) src(%dma_wait3A_93 : memref<16x256xf32, #tpu.memory_space<vmem>>) dst(%dma_wait3A_89 : memref<16x256xf32, #tpu.memory_space<hbm>>)
    %dma_wait3A_94 = arith.constant 0 : i32
    %dma_wait3A_95 = arith.constant 0 : i32
    %dma_wait3A_96 = arith.constant 0 : i32
    %dma_wait3A_97 = tpu.memref_slice %arg10[%dma_wait3A_94, %dma_wait3A_95, %dma_wait3A_96] : memref<4x16x256xf32, #tpu.memory_space<vmem>> -> memref<1x16x256xf32, #tpu.memory_space<vmem>>
    %dma_wait3A_98 = tpu.memref_squeeze %dma_wait3A_97 : memref<1x16x256xf32, #tpu.memory_space<vmem>> -> memref<16x256xf32, #tpu.memory_space<vmem>>
    %dma_wait3A_99 = arith.constant 0 : i32
    %dma_wait3A_100 = tpu.memref_slice %arg5[%select_n3A, %mul3A_32, %dma_wait3A_99] : memref<16x512x256xf32, #tpu.memory_space<hbm>> -> memref<1x16x256xf32, #tpu.memory_space<hbm>>
    %dma_wait3A_101 = tpu.memref_squeeze %dma_wait3A_100 : memref<1x16x256xf32, #tpu.memory_space<hbm>> -> memref<16x256xf32, #tpu.memory_space<hbm>>
    %dma_wait3A_102 = arith.constant 0 : i32
    %dma_wait3A_103 = tpu.memref_slice %arg5[%select_n3A, %mul3A_32, %dma_wait3A_102] : memref<16x512x256xf32, #tpu.memory_space<hbm>> -> memref<1x16x256xf32, #tpu.memory_space<hbm>>
    %dma_wait3A_104 = tpu.memref_squeeze %dma_wait3A_103 : memref<1x16x256xf32, #tpu.memory_space<hbm>> -> memref<16x256xf32, #tpu.memory_space<hbm>>
    %dma_wait3A_105 = arith.constant 0 : i32
    %dma_wait3A_106 = arith.constant 0 : i32
    %dma_wait3A_107 = tpu.memref_slice %arg10[%dma_wait3A_94, %dma_wait3A_105, %dma_wait3A_106] : memref<4x16x256xf32, #tpu.memory_space<vmem>> -> memref<1x16x256xf32, #tpu.memory_space<vmem>>
    %dma_wait3A_108 = tpu.memref_squeeze %dma_wait3A_107 : memref<1x16x256xf32, #tpu.memory_space<vmem>> -> memref<16x256xf32, #tpu.memory_space<vmem>>
    tpu.wait_dma2 semaphore(%arg11 : memref<!tpu.dma_semaphore, #tpu.memory_space<semaphore_mem>>) src(%dma_wait3A_108 : memref<16x256xf32, #tpu.memory_space<vmem>>) dst(%dma_wait3A_104 : memref<16x256xf32, #tpu.memory_space<hbm>>)
    return
  }
}

</mosaic_0001>

<sc_bundles>
// kernel: kernel.3.cloned.1.call-start
scs
__scs_entry_jumppad:
0x0: {  	(pc) =	sbr.rel $0x88, $3  }
0x1: {  	(tag) =	ssettag $0x0;
	lr =	simm.s32 $0x1  }
0x2: {  	[smem:$0x3F9E] =	sst lr;
	_ =	strace $0xD0000000  }
0x3: {  	_ = 	snop  }
0x4: {  	_ = 	snop  }
0x5: {  	_ = 	snop  }
0x6: {  	_ = 	snop  }
0x7: {  	_ = 	snop  }
__scs_overlays_trampoline_lowered:
0x8: {  	[smem:$0x3FAD] =	sst s0  }
0x9: {  	[smem:$0x3FAE] =	sst s1  }
0xa: {  	[smem:$0x3FAF] =	sst s2  }
0xb: {  	[smem:$0x3FB0] =	sst s3  }
0xc: {  	[smem:$0x3FB1] =	sst s4  }
0xd: {  	[smem:$0x3FB2] =	sst s5  }
0xe: {  	[smem:$0x3FB3] =	sst s6  }
0xf: {  	[smem:$0x3FB4] =	sst s7  }
0x10: {  	[smem:$0x3FB5] =	sst s8  }
0x11: {  	[smem:$0x3FB6] =	sst s9;
	s0 =	simm.s32 @!p0 $0x0  }
0x12: {  	s1 =	sld [smem:$0x3F9C];
	s0 =	simm.s32 @p0 $0x1  }
0x13: {  	[smem:$0x3FB7] =	sst s0;
	s0 =	simm.s32 @!p1 $0x0  }
0x14: {  	s2 =	sld [smem:$0x3F9B];
	s0 =	simm.s32 @p1 $0x1  }
0x15: {  	[smem:$0x3FB8] =	sst s0;
	s0 =	simm.s32 @!p2 $0x0  }
0x16: {  	s3 =	sld [smem:$0x3FDB];
	s0 =	simm.s32 @p2 $0x1  }
0x17: {  	s4 =	simm.s32 $0x1BF5;
	[smem:$0x3FBA] =	sst s0  }
0x18: {  	s0 =	sld [smem:$0x3F9D];
	_ =	swait.ge [sflag:s4], $0x0  }
0x19: {  	s7 =	sld [smem:$0x3F9E]  }
0x1a: {  	s8 =	sadd.s32 $0xFFFFE003, lr  }
0x1b: {  	s9 =	sadd.s32 $0xFFFFFEF7, lr;
	s5 =	simm.s32 $0xFFFFFFFF;
	p2 =	slt.u32 s8, $0xFFFFF086  }
0x1c: {  	p1 =	slt.u32 s9, $0xF7A;
	s5 =	simm.s32 @!p2 $0x0  }
0x1d: {  	s5 =	simm.s32 @p1 $0x1;
	p0 =	seq.s32 s7, s2  }
0x1e: {  	s7 =	smul.u32 @!p0 $0xF7A, s2;
	p2 =	seq.s32 @!p0 s5, $0x0  }
0x1f: {  	s9 =	smul.u32 $0xF7A, s1;
	s8 =	simm.s32 @!p0 $0x1BF5;
	p2 =	por !p2, p0  }
0x20: {  	[sflag:s8] =	ssyncset.s32 @!p0 $0xFFFFF086;
	s6 =	sadd.s32 @!p0 s3, s7;
	s7 =	simm.s32 @!p0 $0x108  }
0x21: {  	s3 =	sadd.s32 s3, s9;
	s6 =	sadd.s32 @!p0 $0x88, s6;
	s7 =	simm.s32 @p2 $0x1082  }
0x22: {  	[simem:s7], [sflag:s8] =	dma.local @!p0 [hbm:s6], $0xF7A  }
0x23: {  	s9 =	sor.u32 $0xD0000000, s2;
	s6 =	simm.s32 $0x108;
	_ =	swait.ge @!p0 [sflag:s8], $0x0  }
0x24: {  	s3 =	sadd.s32 $0x88, s3;
	s6 =	simm.s32 @!p1 $0x1082;
	[sflag:s4] =	ssyncset.s32 $0xFFFFF086  }
0x25: {  	[simem:s6], [sflag:s4] =	dma.local [hbm:s3], $0xF7A  }
0x26: {  	[smem:$0x3F9E] =	sst s1;
	(tag) =	ssettag s2;
	_ =	strace s9  }
0x27: {  	s1 =	sld [smem:$0x3FAE]  }
0x28: {  	s2 =	sld [smem:$0x3FAF]  }
0x29: {  	s4 =	sld [smem:$0x3FB1]  }
0x2a: {  	p0 =	seq.s32 s5, $0x0;
	s5 =	sld [smem:$0x3FB2]  }
0x2b: {  	s6 =	sld [smem:$0x3FB3]  }
0x2c: {  	s7 =	sld [smem:$0x3FB4]  }
0x2d: {  	s3 =	simm.s32 $0x108;
	s8 =	sld [smem:$0x3FB5]  }
0x2e: {  	s3 =	simm.s32 @!p0 $0x1082;
	s9 =	sld [smem:$0x3FB6]  }
0x2f: {  	lr =	sadd.s32 s0, s3;
	s0 =	sld [smem:$0x3FAD]  }
0x30: {  	s3 =	sld [smem:$0x3FB0]  }
0x31: {  	[smem:$0x3FB9] =	sst s10  }
0x32: {  	s10 =	sld [smem:$0x3FB7];
	_ =	sdelay $0x3  }
0x33: {  	p0 =	seq.s32 s10, $0x1;
	s10 =	sld [smem:$0x3FB9];
	_ =	sdelay $0x3  }
0x34: {  	[smem:$0x3FB9] =	sst s10  }
0x35: {  	s10 =	sld [smem:$0x3FB8];
	_ =	sdelay $0x3  }
0x36: {  	p1 =	seq.s32 s10, $0x1;
	s10 =	sld [smem:$0x3FB9];
	_ =	sdelay $0x3  }
0x37: {  	[smem:$0x3FB9] =	sst s10  }
0x38: {  	s10 =	sld [smem:$0x3FBA]  }
0x39: {  	_ = 	snop;
	(pc) =	sbr.ind lr, $3  }
0x3a: {  	_ = 	snop  }
0x3b: {  	_ = 	snop  }
0x3c: {  	p2 =	seq.s32 s10, $0x1;
	s10 =	sld [smem:$0x3FB9]  }
0x3d: {  	_ =	shalt  }
0x3e: {  	_ =	shalt  }
0x3f: {  	_ =	shalt  }
0x40: {  	_ =	shalt  }
0x41: {  	_ =	shalt  }
0x42: {  	_ =	shalt  }
0x43: {  	_ =	shalt  }
0x44: {  	_ =	shalt  }
0x45: {  	_ =	shalt  }
0x46: {  	_ =	shalt  }
0x47: {  	_ =	shalt  }
0x48: {  	_ =	shalt  }
0x49: {  	_ =	shalt  }
0x4a: {  	_ =	shalt  }
0x4b: {  	_ =	shalt  }
0x4c: {  	_ =	shalt  }
0x4d: {  	_ =	shalt  }
0x4e: {  	_ =	shalt  }
0x4f: {  	_ =	shalt  }
0x50: {  	_ =	shalt  }
0x51: {  	_ =	shalt  }
0x52: {  	_ =	shalt  }
0x53: {  	_ =	shalt  }
0x54: {  	_ =	shalt  }
0x55: {  	_ =	shalt  }
0x56: {  	_ =	shalt  }
0x57: {  	_ =	shalt  }
0x58: {  	_ =	shalt  }
0x59: {  	_ =	shalt  }
0x5a: {  	_ =	shalt  }
0x5b: {  	_ =	shalt  }
0x5c: {  	_ =	shalt  }
0x5d: {  	_ =	shalt  }
0x5e: {  	_ =	shalt  }
0x5f: {  	_ =	shalt  }
0x60: {  	_ =	shalt  }
0x61: {  	_ =	shalt  }
0x62: {  	_ =	shalt  }
0x63: {  	_ =	shalt  }
0x64: {  	_ =	shalt  }
0x65: {  	_ =	shalt  }
0x66: {  	_ =	shalt  }
0x67: {  	_ =	shalt  }
0x68: {  	_ =	shalt  }
0x69: {  	_ =	shalt  }
0x6a: {  	_ =	shalt  }
0x6b: {  	_ =	shalt  }
0x6c: {  	_ =	shalt  }
0x6d: {  	_ =	shalt  }
0x6e: {  	_ =	shalt  }
0x6f: {  	_ =	shalt  }
0x70: {  	_ =	shalt  }
0x71: {  	_ =	shalt  }
0x72: {  	_ =	shalt  }
0x73: {  	_ =	shalt  }
0x74: {  	_ =	shalt  }
0x75: {  	_ =	shalt  }
0x76: {  	_ =	shalt  }
0x77: {  	_ =	shalt  }
0x78: {  	_ =	shalt  }
0x79: {  	_ =	shalt  }
0x7a: {  	_ =	shalt  }
0x7b: {  	_ =	shalt  }
0x7c: {  	_ =	shalt  }
0x7d: {  	_ =	shalt  }
0x7e: {  	_ =	shalt  }
0x7f: {  	_ =	shalt  }
0x80: {  	_ =	shalt  }
0x81: {  	_ =	shalt  }
0x82: {  	_ =	shalt  }
0x83: {  	_ =	shalt  }
0x84: {  	_ =	shalt  }
0x85: {  	_ =	shalt  }
0x86: {  	_ =	shalt  }
0x87: {  	_ =	shalt  }
.Lfunc_end0:
.L_simem_size_0:
called_computation_lowered:
.L_overlay_start_0:
0x88: {  	s2 =	sld [smem:$0x3FD9]  }
0x89: {  	s3 =	sld [smem:$0x3FFE];
	_ =	sdelay $0x1  }
0x8a: {  	s1 =	srdreg.scid  }
0x8b: {  	s0 =	sand.u32 $0x1, s1  }
0x8c: {  	s15 =	sshll.u32 s0, $0xA;
	s2 =	sadd.s32 s3, s2  }
0x8d: {  	s2 =	sadd.s32 s2, s15  }
0x8e: {  	[smem:$0x3FC5] =	sst s2  }
0x8f: {  	_ = 	snop  }
0x90: {  	s2 =	sld [smem:$0x3FD0]  }
0x91: {  	s16 =	sld [smem:$0x3FC9]  }
0x92: {  	s4 =	sld [smem:$0x3FC8]  }
0x93: {  	s6 =	simm.s32 $0xA;
	s7 =	simm.s32 $0x10;
	s5 =	sld [smem:$0x3FC7]  }
0x94: {  	[smem:s7], [sflag:s6] =	dma.local [hbm:s2], $0x1  }
0x95: {  	_ =	swait.eq [sflag:s6], $0x1  }
0x96: {  	[sflag:s6] =	ssyncset.done $0x0  }
0x97: {  	s17 =	sld [smem:$0x10];
	[sflag:s6] =	ssyncadd.s32 $0xFFFFFFFF  }
0x98: {  	s18 =	sld [smem:$0x11];
	(tm) =	ssettm $0x1  }
0x99: {  	s19 =	sld [smem:$0x3FFB];
	_ =	sdelay $0x3  }
0x9a: {  	_ =	strace s19  }
0x9b: {  	s7 =	sld [smem:$0x3FFC];
	_ =	sdelay $0x3  }
0x9c: {  	_ =	strace s7  }
0x9d: {  	s7 =	sld [smem:$0x3FFD];
	_ =	sdelay $0x3  }
0x9e: {  	_ =	strace s7  }
0x9f: {  	_ =	strace $0x8FFFFFFF  }
0xa0: {  	s20 =	sld [smem:$0x3FDB];
	_ =	sdelay $0x1  }
0xa1: {  	s8 =	simm.s32 $_scs_section_size  }
0xa2: {  	s9 =	simm.s32 $_size__tile_overlayer_lowered;
	s10 =	simm.s32 $_tile_overlayer_lowered  }
0xa3: {  	s23 =	simm.s32 $0x1BFF;
	s22 =	sshll.u32 s10, $0x1;
	s7 =	sadd.s32 s8, s20  }
0xa4: {  	s11 =	simm.s32 $0x0;
	s21 =	sshll.u32 s9, $0x1;
	s9 =	sadd.s32 s22, s7  }
0xa5: {  	[timem:s11], [sflag:s23] =	dma.local [hbm:s9], s21  }
0xa6: {  	_ =	swait.ge [sflag:s23], s21  }
0xa7: {  	s8 =	ssub.s32 $0x0, s21;
	[sflag:s23] =	ssyncset.done $0x0  }
0xa8: {  	[sflag:s23] =	ssyncadd.s32 s8;
	_ =	sdelay $0x1  }
0xa9: {  	s24 =	simm.s32 $0x1B8B  }
0xaa: {  	_ =	swait.ge [sflag:s24], $0x1  }
0xab: {  	[sflag:s24] =	ssyncset.done $0x0  }
0xac: {  	s25 =	simm.s32 $0x1B8E;
	[sflag:s24] =	ssyncadd.s32 $0xFFFFFFFF  }
0xad: {  	s26 =	simm.s32 $execute0_lowered;
	[smem:$0x3FD2] =	sst s25  }
0xae: {  	s8 =	sshll.u32 s26, $0x1;
	_ =	strace $0x80000046;
	[dreg:$0x1] =	wrdreg $0xFFFFFFFF  }
0xaf: {  	s28 =	simm.s32 $_size_execute0_lowered;
	s7 =	sadd.s32 s7, s8;
	[dreg:$0x0] =	wrdreg $0x0  }
0xb0: {  	s8 =	sshll.u32 s28, $0x1;
	[dreg:$0x2] =	wrdreg s7  }
0xb1: {  	[dreg:$0x3] =	wrdreg s8  }
0xb2: {  	[dreg:$0x4] =	wrdreg $0xC0  }
0xb3: {  	_ =	task [dreg:s11], $0x5FFFF  }
0xb4: {  	[dreg:$0x1] =	wrdreg $0xFFFFFFFF  }
0xb5: {  	[dreg:$0x0] =	wrdreg $0x60  }
0xb6: {  	[dreg:$0x2] =	wrdreg s16  }
0xb7: {  	[dreg:$0x3] =	wrdreg s5  }
0xb8: {  	[dreg:$0x4] =	wrdreg s4  }
0xb9: {  	[dreg:$0x5] =	wrdreg s17  }
0xba: {  	[dreg:$0x6] =	wrdreg s18  }
0xbb: {  	[dreg:$0x7] =	wrdreg $0x9  }
0xbc: {  	_ =	task.clear_ibuf [dreg:s11], $0x8FFFF;
	_ =	strace $0x90000046  }
0xbd: {  	s29 =	simm.s32 $0x9;
	_ =	strace $0x80000048  }
0xbe: {  	_ =	swait.ge [sflag:s29], $0x1  }
0xbf: {  	[sflag:s29] =	ssyncadd.s32 $0xFFFFFFFF  }
0xc0: {  	_ =	strace $0x90000048  }
0xc1: {  	_ =	sfence  }
0xc2: {  	s30 =	sld [smem:$0x0];
	_ =	sdelay $0x2  }
0xc3: {  	s31 =	sshll.u32 s1, $0xD;
	s1 =	sshrl.u32 s1, $0x2  }
0xc4: {  	s3 =	sand.u32 $0x4000, s31;
	s1 =	sadd.s32 s1, s30  }
0xc5: {  	s0 =	sor.u32 s3, s0;
	s1 =	sshll.u32 s1, $0x11  }
0xc6: {  	s0 =	sor.u32 s1, s0  }
0xc7: {  	s0 =	sadd.s32 $0x8F2B, s0  }
0xc8: {  	[sflag:s0] =	ssyncadd.remote.s32 $0x1  }
0xc9: {  	_ =	sfence.sel $0xFFFF  }
0xca: {  	[dreg:$0x0] =	wrdreg $0xFFFFFFFF;
	(pc) =	sbr.abs _section_cstart, $3  }
0xcb: {  	[dreg:$0x1] =	wrdreg $0xFFFFFFFF  }
0xcc: {  	_ =	task.clear_ibuf [dreg:s11], $0x2FFFF;
	_ =	strace $0x9FFFFFFF  }
0xcd: {  	(tm) =	ssettm $0x7FFFFFFF  }
tec
execute0_lowered:
.L_overlay_start_1:
0x0: {  	(tag) =	ssettag $0x1  }
0x1: {  	s7 =	rddreg [dreg:$0x0]  }
0x2: {  	s2 =	rddreg [dreg:$0x2]  }
0x3: {  	s1 =	srdreg.scid;
	s14 =	rddreg [dreg:$0x3]  }
0x4: {  	s0 =	stileid.u32;
	s4 =	rddreg [dreg:$0x4]  }
0x5: {  	s6 =	simm.s32 $0x1;
	s3 =	rddreg [dreg:$0x5];
	s5 =	simm.s32 $0x0  }
0x6: {  	s17 =	simm.s32 $0x400;
	s18 =	simm.s32 $0x800;
	s19 =	simm.s32 $0xC00  }
0x7: {  	s20 =	simm.s32 $0x1000;
	s21 =	simm.s32 $0x1400;
	s8 =	sand.u32 $0x1, s1  }
0x8: {  	s22 =	simm.s32 $0x2;
	s23 =	simm.s32 $0x1800;
	s15 =	sor.u32 s8, s0  }
0x9: {  	s24 =	simm.s32 $0x1900;
	p1 =	seq.s32 s8, $0x1;
	p0 =	seq.s32 s15, $0x0  }
0xa: {  	s25 =	simm.s32 $0x0;
	s1 =	rddreg [dreg:$0x1];
	p0 =	por !p0, !p1  }
0xb: {  	[smem:$0x7FF] =	sst s5;
	s10 =	sshll.u32 s8, $0xB;
	p0 =	por !p0, !p0  }
0xc: {  	s12 =	ssub.s32 $0x2, s8;
	_ =	strace $0x80000047;
	s6 =	simm.s32 @!p0 $0x0  }
0xd: {  	s31 =	sshll.u32 s8, $0x10;
	s29 =	sshrl.u32 s12, $0x1;
	s9 =	ssub.s32 s0, s6  }
0xe: {  	p0 =	sne.s32 s15, $0x0;
	s15 =	simm.s32 $0x80;
	s6 =	sshll.u32 s9, $0x9  }
0xf: {  	s11 =	sshll.u32 s9, $0x7;
	s30 =	sshll.u32 s9, $0x11;
	s6 =	sand.u32 $0xFFFFF000, s6  }
0x10: {  	s28 =	sand.u32 $0x380, s11;
	s11 =	ssub.s32 s12, s29;
	s6 =	sor.u32 s10, s6  }
.Ltmp0:
0x11: {  	s12 =	sor.u32 s31, s30;
	s10 =	sor.u32 s28, s6;
	(pc) =	sbr.rel .LBB2_1-.Ltmp0, $4  }
0x12: {  	s8 =	smax.u32 s11, $0x1;
	s16 =	sshrl.u32 s12, $0x3;
	s10 =	sshrl.u32 s10, $0x3  }
0x13: {  	v0 =	vlaneseq.u32;
	s6 =	simm.s32 $0x1;
	s14 =	sadd.s32 s16, s14;
	s7 =	sadd.s32 s7, s10  }
0x14: {  	v1 =	vimm.f32 $0.0e+00;
	v2 =	vshrl.u32 v0, $0x3;
	v3 =	vand.u32 $0x7, v0;
	s16 =	simm.s32 $0x2000;
	s9 =	sadd.s32 $0x80, s7;
	s10 =	sadd.s32 $0x2000, s7  }
0x15: {  	v4 =	vimm.f32 $1.000000000e+00;
	v2 =	vmul.u32 $0x800, v2;
	v3 =	vmul.u32 $0x80, v3;
	s11 =	sadd.s32 $0x2080, s7;
	s12 =	sadd.s32 $0x4000, s7;
	s13 =	sadd.s32 $0x4080, s7  }
.LBB2_8:
0x16: {  	_ =	swait.ge [sflag:s6], $0x1000  }
0x17: {  	[sflag:s6] =	ssyncset.done $0x0  }
0x18: {  	[sflag:s6] =	ssyncadd.s32 $0xFFFFF000  }
0x19: {  	_ =	swait.ge [sflag:s6], $0x1000  }
0x1a: {  	[sflag:s6] =	ssyncset.done $0x0  }
0x1b: {  	s25 =	sadd.s32 $0x1, s25;
	[sflag:s6] =	ssyncadd.s32 $0xFFFFF000  }
0x1c: {  	p1 =	sne.s32 s25, s8;
	_ =	swait.ge [sflag:s6], $0x1000  }
.Ltmp1:
0x1d: {  	[sflag:s6] =	ssyncset.done $0x0;
	(pc) =	sbr.rel @!p1 .LBB2_9-.Ltmp1, $4  }
0x1e: {  	[sflag:s6] =	ssyncadd.s32 $0xFFFFF000  }
0x1f: {  	_ =	swait.ge [sflag:s6], $0x1000  }
0x20: {  	[sflag:s6] =	ssyncset.done $0x0  }
0x21: {  	[sflag:s6] =	ssyncadd.s32 $0xFFFFF000  }
.LBB2_1:
0x22: {  	[tilespmem:s5], [sflag:$0x2] =	stream.strided.gather [hbm4b:s7+s15], $0x400, s16, s15, $0x38;
	[tilespmem:$0x5900] =	vst v63  }
0x23: {  	_ = 	snop  }
0x24: {  	[tilespmem:s17], [sflag:$0x2] =	stream.strided.gather [hbm4b:s9+s15], $0x400, s16, s15, $0x38;
	[tilespmem:$0x5900] =	vst v63  }
0x25: {  	_ = 	snop  }
0x26: {  	[tilespmem:s18], [sflag:$0x2] =	stream.strided.gather [hbm4b:s10+s15], $0x400, s16, s15, $0x38;
	[tilespmem:$0x5900] =	vst v63  }
0x27: {  	_ = 	snop  }
0x28: {  	[tilespmem:s19], [sflag:$0x2] =	stream.strided.gather [hbm4b:s11+s15], $0x400, s16, s15, $0x38;
	[tilespmem:$0x5900] =	vst v63  }
0x29: {  	_ = 	snop  }
0x2a: {  	[tilespmem:s20], [sflag:$0x2] =	stream.strided.gather [hbm4b:s12+s15], $0x200, s16, s15, $0x38;
	[tilespmem:$0x5900] =	vst v63  }
0x2b: {  	_ = 	snop  }
0x2c: {  	[tilespmem:s21], [sflag:$0x2] =	stream.strided.gather [hbm4b:s13+s15], $0x200, s16, s15, $0x38;
	[tilespmem:$0x5900] =	vst v63  }
0x2d: {  	_ =	swait.ge [sflag:s22], $0x1400  }
0x2e: {  	[sflag:s22] =	ssyncset.done $0x0  }
0x2f: {  	[sflag:s22] =	ssyncadd.s32 $0xFFFFEC00  }
0x30: {  	[tilespmem:s23], [sflag:$0x2] =	stream.linear.gather [hbm4b:s1+s5], $0x1, $0x38;
	[tilespmem:$0x5900] =	vst v63  }
0x31: {  	_ =	swait.ge [sflag:s22], $0x1  }
0x32: {  	s26 =	simm.s32 @!p0 $0x0;
	[sflag:s22] =	ssyncset.done $0x0  }
0x33: {  	s28 =	simm.s32 @!p0 $0x1880;
	s29 =	simm.s32 @!p0 $0x2;
	[sflag:s22] =	ssyncadd.s32 $0xFFFFFFFF  }
0x34: {  	[tilespmem:s28], [sflag:$0x2] =	stream.linear.gather @!p0 [hbm4b:s2+s26], $0x80, $0x38;
	[tilespmem:$0x5900] =	vst v63  }
0x35: {  	_ =	swait.ge @!p0 [sflag:s29], $0x80  }
0x36: {  	[sflag:s29] =	ssyncset.done @!p0 $0x0  }
0x37: {  	[sflag:s29] =	ssyncadd.s32 @!p0 $0xFFFFFF80  }
0x38: {  	[hbm4b:s4+s26] =	stream.linear.scatter @!p0 [tilespmem:s28], [sflag:$0x2], $0x80, $0x38;
	[tilespmem:$0x5900] =	vst v63  }
0x39: {  	_ =	swait.ge @!p0 [sflag:s29], $0x80  }
0x3a: {  	s31 =	sand.u32 $0x70, s5;
	s28 =	sand.u32 $0x400, s5;
	[sflag:s29] =	ssyncset.done @!p0 $0x0  }
0x3b: {  	s26 =	sor.u32 s31, s28;
	[sflag:s29] =	ssyncadd.s32 @!p0 $0xFFFFFF80  }
0x3c: {  	v5 =	vld [tilespmem:$0x1800];
	[tilespmem:s26+$0x1980] =	vst v1  }
0x3d: {  	[tilespmem:s26+$0x1A00] =	vst v1  }
0x3e: {  	[tilespmem:s26+$0x1A80] =	vst v1  }
0x3f: {  	[tilespmem:s26+$0x1B00] =	vst v1  }
0x40: {  	[tilespmem:s26+$0x1B80] =	vst v1  }
0x41: {  	s30 =	sor.u32 s5, s5;
	s28 =	simm.s32 $0x10;
	s29 =	simm.s32 $0x0;
	[tilespmem:s26+$0x1C00] =	vst v1  }
.LBB2_2:
0x42: {  	p1 =	sne.s32 s28, $0xF0;
	[tilespmem:s26+$0x1900] =	vst v1;
	s30 =	sor.u32 $0x380, s30  }
0x43: {  	[tilespmem:s30+$0x1900] =	vst v1  }
0x44: {  	[tilespmem:s26+$0x2100] =	vst v1  }
0x45: {  	[tilespmem:s26+$0x2180] =	vst v1  }
0x46: {  	[tilespmem:s26+$0x2200] =	vst v1  }
0x47: {  	[tilespmem:s26+$0x2280] =	vst v1  }
0x48: {  	[tilespmem:s26+$0x2300] =	vst v1  }
0x49: {  	[tilespmem:s26+$0x2380] =	vst v1  }
0x4a: {  	[tilespmem:s26+$0x2400] =	vst v1  }
0x4b: {  	[tilespmem:s26+$0x2480] =	vst v1  }
0x4c: {  	[tilespmem:s26+$0x2900] =	vst v1  }
0x4d: {  	[tilespmem:s26+$0x2980] =	vst v1  }
0x4e: {  	[tilespmem:s26+$0x2A00] =	vst v1  }
0x4f: {  	[tilespmem:s26+$0x2A80] =	vst v1  }
0x50: {  	[tilespmem:s26+$0x2B00] =	vst v1  }
0x51: {  	[tilespmem:s26+$0x2B80] =	vst v1  }
0x52: {  	[tilespmem:s26+$0x2C00] =	vst v1  }
0x53: {  	[tilespmem:s26+$0x2C80] =	vst v1  }
0x54: {  	[tilespmem:s26+$0x3100] =	vst v1  }
0x55: {  	[tilespmem:s26+$0x3180] =	vst v1  }
0x56: {  	[tilespmem:s26+$0x3200] =	vst v1  }
0x57: {  	[tilespmem:s26+$0x3280] =	vst v1  }
0x58: {  	[tilespmem:s26+$0x3300] =	vst v1  }
0x59: {  	[tilespmem:s26+$0x3380] =	vst v1  }
0x5a: {  	[tilespmem:s26+$0x3400] =	vst v1  }
0x5b: {  	[tilespmem:s26+$0x3480] =	vst v1  }
0x5c: {  	[tilespmem:s26+$0x3900] =	vst v1  }
0x5d: {  	[tilespmem:s26+$0x3980] =	vst v1  }
0x5e: {  	[tilespmem:s26+$0x3A00] =	vst v1  }
0x5f: {  	[tilespmem:s26+$0x3A80] =	vst v1  }
0x60: {  	[tilespmem:s26+$0x3B00] =	vst v1  }
0x61: {  	[tilespmem:s26+$0x3B80] =	vst v1  }
0x62: {  	[tilespmem:s26+$0x3C00] =	vst v1  }
0x63: {  	[tilespmem:s26+$0x3C80] =	vst v1  }
0x64: {  	[tilespmem:s26+$0x4100] =	vst v1  }
0x65: {  	[tilespmem:s26+$0x4180] =	vst v1  }
0x66: {  	[tilespmem:s26+$0x4200] =	vst v1  }
0x67: {  	[tilespmem:s26+$0x4280] =	vst v1  }
0x68: {  	[tilespmem:s26+$0x4300] =	vst v1  }
0x69: {  	[tilespmem:s26+$0x4380] =	vst v1  }
0x6a: {  	[tilespmem:s26+$0x4400] =	vst v1  }
0x6b: {  	[tilespmem:s26+$0x4480] =	vst v1  }
0x6c: {  	[tilespmem:s26+$0x4900] =	vst v1  }
0x6d: {  	[tilespmem:s26+$0x4980] =	vst v1  }
0x6e: {  	[tilespmem:s26+$0x4A00] =	vst v1  }
0x6f: {  	[tilespmem:s26+$0x4A80] =	vst v1  }
0x70: {  	[tilespmem:s26+$0x4B00] =	vst v1  }
0x71: {  	[tilespmem:s26+$0x4B80] =	vst v1  }
0x72: {  	[tilespmem:s26+$0x4C00] =	vst v1  }
0x73: {  	[tilespmem:s26+$0x4C80] =	vst v1  }
0x74: {  	[tilespmem:s26+$0x5100] =	vst v1  }
0x75: {  	[tilespmem:s26+$0x5180] =	vst v1  }
0x76: {  	[tilespmem:s26+$0x5200] =	vst v1  }
0x77: {  	[tilespmem:s26+$0x5280] =	vst v1  }
0x78: {  	[tilespmem:s26+$0x5300] =	vst v1  }
0x79: {  	s29 =	sadd.s32 $0x80, s29;
	[tilespmem:s26+$0x5380] =	vst v1  }
0x7a: {  	s30 =	sand.u32 $0x70, s28;
	s31 =	sand.u32 $0x400, s29;
	[tilespmem:s26+$0x5400] =	vst v1  }
0x7b: {  	[tilespmem:s26+$0x5480] =	vst v1;
	s26 =	sor.u32 s30, s31  }
0x7c: {  	[tilespmem:s26+$0x1980] =	vst v1  }
.Ltmp2:
0x7d: {  	[tilespmem:s26+$0x1A00] =	vst v1;
	(pc) =	sbr.rel @p1 .LBB2_2-.Ltmp2, $4  }
0x7e: {  	[tilespmem:s26+$0x1A80] =	vst v1  }
0x7f: {  	[tilespmem:s26+$0x1B00] =	vst v1  }
0x80: {  	[tilespmem:s26+$0x1B80] =	vst v1  }
0x81: {  	s30 =	sor.u32 s29, s28;
	s28 =	sadd.s32 $0x10, s28;
	[tilespmem:s26+$0x1C00] =	vst v1  }
0x82: {  	[tilespmem:s26+$0x1900] =	vst v1;
	s28 =	sor.u32 $0x380, s30  }
0x83: {  	[tilespmem:s28+$0x1900] =	vst v1  }
0x84: {  	[tilespmem:s26+$0x2100] =	vst v1  }
0x85: {  	[tilespmem:s26+$0x2180] =	vst v1  }
0x86: {  	[tilespmem:s26+$0x2200] =	vst v1  }
0x87: {  	[tilespmem:s26+$0x2280] =	vst v1  }
0x88: {  	[tilespmem:s26+$0x2300] =	vst v1  }
0x89: {  	[tilespmem:s26+$0x2380] =	vst v1  }
0x8a: {  	[tilespmem:s26+$0x2400] =	vst v1  }
0x8b: {  	[tilespmem:s26+$0x2480] =	vst v1  }
0x8c: {  	[tilespmem:s26+$0x2900] =	vst v1  }
0x8d: {  	[tilespmem:s26+$0x2980] =	vst v1  }
0x8e: {  	[tilespmem:s26+$0x2A00] =	vst v1  }
0x8f: {  	[tilespmem:s26+$0x2A80] =	vst v1  }
0x90: {  	[tilespmem:s26+$0x2B00] =	vst v1  }
0x91: {  	[tilespmem:s26+$0x2B80] =	vst v1  }
0x92: {  	[tilespmem:s26+$0x2C00] =	vst v1  }
0x93: {  	[tilespmem:s26+$0x2C80] =	vst v1  }
0x94: {  	[tilespmem:s26+$0x3100] =	vst v1  }
0x95: {  	[tilespmem:s26+$0x3180] =	vst v1  }
0x96: {  	[tilespmem:s26+$0x3200] =	vst v1  }
0x97: {  	[tilespmem:s26+$0x3280] =	vst v1  }
0x98: {  	[tilespmem:s26+$0x3300] =	vst v1  }
0x99: {  	[tilespmem:s26+$0x3380] =	vst v1  }
0x9a: {  	[tilespmem:s26+$0x3400] =	vst v1  }
0x9b: {  	[tilespmem:s26+$0x3480] =	vst v1  }
0x9c: {  	[tilespmem:s26+$0x3900] =	vst v1  }
0x9d: {  	[tilespmem:s26+$0x3980] =	vst v1  }
0x9e: {  	[tilespmem:s26+$0x3A00] =	vst v1  }
0x9f: {  	[tilespmem:s26+$0x3A80] =	vst v1  }
0xa0: {  	[tilespmem:s26+$0x3B00] =	vst v1  }
0xa1: {  	[tilespmem:s26+$0x3B80] =	vst v1  }
0xa2: {  	[tilespmem:s26+$0x3C00] =	vst v1  }
0xa3: {  	[tilespmem:s26+$0x3C80] =	vst v1  }
0xa4: {  	[tilespmem:s26+$0x4100] =	vst v1  }
0xa5: {  	[tilespmem:s26+$0x4180] =	vst v1  }
0xa6: {  	[tilespmem:s26+$0x4200] =	vst v1  }
0xa7: {  	[tilespmem:s26+$0x4280] =	vst v1  }
0xa8: {  	[tilespmem:s26+$0x4300] =	vst v1  }
0xa9: {  	[tilespmem:s26+$0x4380] =	vst v1  }
0xaa: {  	[tilespmem:s26+$0x4400] =	vst v1  }
0xab: {  	[tilespmem:s26+$0x4480] =	vst v1  }
0xac: {  	[tilespmem:s26+$0x4900] =	vst v1  }
0xad: {  	[tilespmem:s26+$0x4980] =	vst v1  }
0xae: {  	[tilespmem:s26+$0x4A00] =	vst v1  }
0xaf: {  	[tilespmem:s26+$0x4A80] =	vst v1  }
0xb0: {  	[tilespmem:s26+$0x4B00] =	vst v1  }
0xb1: {  	[tilespmem:s26+$0x4B80] =	vst v1  }
0xb2: {  	[tilespmem:s26+$0x4C00] =	vst v1  }
0xb3: {  	[tilespmem:s26+$0x4C80] =	vst v1  }
0xb4: {  	[tilespmem:s26+$0x5100] =	vst v1  }
0xb5: {  	[tilespmem:s26+$0x5180] =	vst v1  }
0xb6: {  	[tilespmem:s26+$0x5200] =	vst v1  }
.Ltmp3:
0xb7: {  	[tilespmem:s26+$0x5280] =	vst v1;
	(pc) =	sbr.rel .LBB2_4-.Ltmp3, $4  }
0xb8: {  	[tilespmem:s26+$0x5300] =	vst v1  }
0xb9: {  	[tilespmem:s26+$0x5380] =	vst v1  }
0xba: {  	[tilespmem:s26+$0x5400] =	vst v1  }
0xbb: {  	v5 =	vbroadcast v5, $0x0;
	s29 =	simm.s32 $0x0;
	s28 =	smov.u32 s14;
	[tilespmem:s26+$0x5480] =	vst v1;
	s26 =	simm.s32 $0x0  }
.LBB2_6:
0xbc: {  	s31 =	sadd.s32 $0xFFFFFFC0, s26  }
0xbd: {  	v7 =	vmov s31;
	v8 =	vor.u32 s31, v0  }
0xbe: {  	v7 =	vshll.u32 v7, $0x3;
	v8 =	vand.u32 $0x7F, v8  }
0xbf: {  	v9 =	vand.u32 $0xFFFFFC00, v7;
	v7 =	vor.u32 v8, v7  }
0xc0: {  	v9 =	vor.u32 v9, v8;
	v7 =	vor.u32 $0x380, v7  }
0xc1: {  	v10 =	vadd.s32 $0x1180, v9;
	v11 =	vadd.s32 $0x1100, v9;
	v12 =	vadd.s32 $0x1080, v9  }
0xc2: {  	_ =	swait.ge [sflag:s6], $0x1000;
	v13 =	vadd.s32 $0x1000, v9;
	v14 =	vadd.s32 $0xB80, v9;
	v15 =	vadd.s32 $0xB00, v9  }
0xc3: {  	[sflag:s6] =	ssyncset.done $0x0;
	v16 =	vadd.s32 $0xA80, v9;
	v17 =	vadd.s32 $0xA00, v9;
	v18 =	vadd.s32 $0x980, v9  }
0xc4: {  	[sflag:s6] =	ssyncadd.s32 $0xFFFFF000;
	v19 =	vadd.s32 $0x900, v9;
	v20 =	vadd.s32 $0x880, v9;
	v21 =	vadd.s32 $0x800, v9  }
0xc5: {  	v8 =	vor.u32 $0x300, v9;
	v22 =	vor.u32 $0x280, v9;
	v23 =	vor.u32 $0x200, v9;
	v7 =	vld.idx.msk [tilespmem:v7+s5+$0x0], $0xffff  }
0xc6: {  	v24 =	vor.u32 $0x180, v9;
	v25 =	vor.u32 $0x100, v9;
	v26 =	vor.u32 $0x80, v9;
	v9 =	vld.idx.msk [tilespmem:v9+s5+$0x0], $0xffff  }
0xc7: {  	v10 =	vld.idx.msk [tilespmem:v10+s5+$0x0], $0xffff  }
0xc8: {  	v11 =	vld.idx.msk [tilespmem:v11+s5+$0x0], $0xffff  }
0xc9: {  	v12 =	vld.idx.msk [tilespmem:v12+s5+$0x0], $0xffff  }
0xca: {  	v13 =	vld.idx.msk [tilespmem:v13+s5+$0x0], $0xffff  }
0xcb: {  	v14 =	vld.idx.msk [tilespmem:v14+s5+$0x0], $0xffff  }
0xcc: {  	v15 =	vld.idx.msk [tilespmem:v15+s5+$0x0], $0xffff  }
0xcd: {  	v16 =	vld.idx.msk [tilespmem:v16+s5+$0x0], $0xffff  }
0xce: {  	v6 =	vshll.u32 v6, $0xC;
	v17 =	vld.idx.msk [tilespmem:v17+s5+$0x0], $0xffff  }
0xcf: {  	v6 =	vor.u32 v2, v6;
	v18 =	vld.idx.msk [tilespmem:v18+s5+$0x0], $0xffff  }
0xd0: {  	v19 =	vld.idx.msk [tilespmem:v19+s5+$0x0], $0xffff;
	v49 =	vshll.u32 v7, $0x3;
	v7 =	vand.u32 $0x7F, v7;
	v61 =	vshll.u32 v9, $0x3  }
0xd1: {  	v20 =	vld.idx.msk [tilespmem:v20+s5+$0x0], $0xffff;
	v27 =	vshll.u32 v10, $0x3;
	v28 =	vshll.u32 v11, $0x3;
	v10 =	vand.u32 $0x7F, v10  }
0xd2: {  	v21 =	vld.idx.msk [tilespmem:v21+s5+$0x0], $0xffff;
	v11 =	vand.u32 $0x7F, v11;
	v34 =	vshll.u32 v12, $0x3;
	v35 =	vshll.u32 v13, $0x3  }
0xd3: {  	v8 =	vld.idx.msk [tilespmem:v8+s5+$0x0], $0xffff;
	v12 =	vand.u32 $0x7F, v12;
	v13 =	vand.u32 $0x7F, v13;
	v37 =	vshll.u32 v14, $0x3  }
0xd4: {  	v22 =	vld.idx.msk [tilespmem:v22+s5+$0x0], $0xffff;
	v38 =	vshll.u32 v15, $0x3;
	v14 =	vand.u32 $0x7F, v14;
	v15 =	vand.u32 $0x7F, v15  }
0xd5: {  	v23 =	vld.idx.msk [tilespmem:v23+s5+$0x0], $0xffff;
	v40 =	vshll.u32 v16, $0x3;
	v41 =	vshll.u32 v17, $0x3;
	v16 =	vand.u32 $0x7F, v16  }
0xd6: {  	v24 =	vld.idx.msk [tilespmem:v24+s5+$0x0], $0xffff;
	v17 =	vand.u32 $0x7F, v17;
	v43 =	vshll.u32 v18, $0x3;
	v44 =	vshll.u32 v19, $0x3  }
0xd7: {  	v25 =	vld.idx.msk [tilespmem:v25+s5+$0x0], $0xffff;
	v18 =	vand.u32 $0x7F, v18;
	v19 =	vand.u32 $0x7F, v19;
	v46 =	vshll.u32 v20, $0x3  }
0xd8: {  	v47 =	vshll.u32 v21, $0x3;
	v20 =	vand.u32 $0x7F, v20;
	v21 =	vand.u32 $0x7F, v21  }
0xd9: {  	v50 =	vshll.u32 v8, $0x3;
	v8 =	vand.u32 $0x7F, v8;
	v52 =	vshll.u32 v22, $0x3  }
0xda: {  	v53 =	vshll.u32 v23, $0x3;
	v54 =	vand.u32 $0x7F, v22;
	v55 =	vand.u32 $0x7F, v23  }
0xdb: {  	v56 =	vshll.u32 v24, $0x3;
	v27 =	vand.u32 $0xFFFFFC00, v27;
	v28 =	vand.u32 $0xFFFFFC00, v28  }
0xdc: {  	v57 =	vshll.u32 v25, $0x3;
	v27 =	vadd.s32 v6, v27;
	v33 =	vadd.s32 v6, v28  }
0xdd: {  	v28 =	vand.u32 $0xFFFFFC00, v35;
	v10 =	vor.u32 v10, v27;
	v11 =	vor.u32 v11, v33  }
0xde: {  	v27 =	vand.u32 $0xFFFFFC00, v34;
	v36 =	vadd.s32 v6, v28;
	v28 =	vand.u32 $0xFFFFFC00, v38  }
0xdf: {  	v10 =	vor.u32 v3, v10;
	v11 =	vor.u32 v3, v11;
	v27 =	vadd.s32 v6, v27  }
0xe0: {  	v13 =	vor.u32 v13, v36;
	v39 =	vadd.s32 v6, v28;
	v28 =	vand.u32 $0xFFFFFC00, v41  }
0xe1: {  	v12 =	vor.u32 v12, v27;
	v13 =	vor.u32 v3, v13;
	v27 =	vand.u32 $0xFFFFFC00, v37  }
0xe2: {  	v15 =	vor.u32 v15, v39;
	v42 =	vadd.s32 v6, v28;
	v28 =	vand.u32 $0xFFFFFC00, v44  }
0xe3: {  	v12 =	vor.u32 v3, v12;
	v27 =	vadd.s32 v6, v27;
	v15 =	vor.u32 v3, v15  }
0xe4: {  	v17 =	vor.u32 v17, v42;
	v45 =	vadd.s32 v6, v28;
	v28 =	vand.u32 $0xFFFFFC00, v47  }
0xe5: {  	v14 =	vor.u32 v14, v27;
	v27 =	vand.u32 $0xFFFFFC00, v40;
	v17 =	vor.u32 v3, v17  }
0xe6: {  	v19 =	vor.u32 v19, v45;
	v48 =	vadd.s32 v6, v28;
	v28 =	vand.u32 $0xFFFFFC00, v50  }
0xe7: {  	v14 =	vor.u32 v3, v14;
	v27 =	vadd.s32 v6, v27;
	v19 =	vor.u32 v3, v19  }
0xe8: {  	v21 =	vor.u32 v21, v48;
	v51 =	vadd.s32 v6, v28;
	v16 =	vor.u32 v16, v27  }
0xe9: {  	v26 =	vld.idx.msk [tilespmem:v26+s5+$0x0], $0xffff;
	v27 =	vand.u32 $0xFFFFFC00, v43;
	v21 =	vor.u32 v3, v21;
	v8 =	vor.u32 v8, v51  }
0xea: {  	[tilespmem:v10+s24+$0x0] =	vst.idx.msk $0xffff, v1;
	v10 =	vand.u32 $0xFFFFFC00, v52;
	v16 =	vor.u32 v3, v16;
	v27 =	vadd.s32 v6, v27  }
0xeb: {  	v58 =	vand.u32 $0x7F, v24;
	[tilespmem:v11+s24+$0x0] =	vst.idx.msk $0xffff, v1;
	v8 =	vor.u32 v3, v8;
	v10 =	vadd.s32 v6, v10  }
0xec: {  	v18 =	vor.u32 v18, v27;
	v27 =	vand.u32 $0xFFFFFC00, v46;
	[tilespmem:v12+s24+$0x0] =	vst.idx.msk $0xffff, v1;
	v10 =	vor.u32 v54, v10  }
0xed: {  	v11 =	vand.u32 $0xFFFFFC00, v53;
	v18 =	vor.u32 v3, v18;
	v27 =	vadd.s32 v6, v27;
	[tilespmem:v13+s24+$0x0] =	vst.idx.msk $0xffff, v1  }
0xee: {  	v11 =	vadd.s32 v6, v11;
	v20 =	vor.u32 v20, v27;
	v27 =	vand.u32 $0xFFFFFC00, v49;
	[tilespmem:v14+s24+$0x0] =	vst.idx.msk $0xffff, v1  }
0xef: {  	v59 =	vand.u32 $0x7F, v25;
	v20 =	vor.u32 v3, v20;
	v27 =	vadd.s32 v6, v27;
	[tilespmem:v15+s24+$0x0] =	vst.idx.msk $0xffff, v1  }
0xf0: {  	v60 =	vshll.u32 v26, $0x3;
	v10 =	vor.u32 v3, v10;
	v7 =	vor.u32 v7, v27;
	[tilespmem:v16+s24+$0x0] =	vst.idx.msk $0xffff, v1  }
0xf1: {  	v12 =	vand.u32 $0xFFFFFC00, v56;
	v11 =	vor.u32 v55, v11;
	v7 =	vor.u32 v3, v7;
	[tilespmem:v17+s24+$0x0] =	vst.idx.msk $0xffff, v1  }
0xf2: {  	v12 =	vadd.s32 v6, v12;
	v13 =	vand.u32 $0xFFFFFC00, v57;
	v11 =	vor.u32 v3, v11;
	[tilespmem:v18+s24+$0x0] =	vst.idx.msk $0xffff, v1  }
0xf3: {  	v62 =	vand.u32 $0x7F, v26;
	v12 =	vor.u32 v58, v12;
	v13 =	vadd.s32 v6, v13;
	[tilespmem:v19+s24+$0x0] =	vst.idx.msk $0xffff, v1  }
0xf4: {  	v14 =	vand.u32 $0xFFFFFC00, v60;
	v12 =	vor.u32 v3, v12;
	v13 =	vor.u32 v59, v13;
	[tilespmem:v20+s24+$0x0] =	vst.idx.msk $0xffff, v1  }
0xf5: {  	v14 =	vadd.s32 v6, v14;
	v15 =	vand.u32 $0xFFFFFC00, v61;
	v13 =	vor.u32 v3, v13;
	[tilespmem:v21+s24+$0x0] =	vst.idx.msk $0xffff, v1  }
0xf6: {  	v9 =	vand.u32 $0x7F, v9;
	v63 =	vadd.s32 v6, v15;
	[tilespmem:v7+s24+$0x0] =	vst.idx.msk $0xffff, v1;
	v7 =	vor.u32 v62, v14  }
0xf7: {  	[tilespmem:v8+s24+$0x0] =	vst.idx.msk $0xffff, v1;
	v7 =	vor.u32 v3, v7;
	v8 =	vor.u32 v9, v63  }
0xf8: {  	[tilespmem:v10+s24+$0x0] =	vst.idx.msk $0xffff, v1;
	v8 =	vor.u32 v3, v8  }
0xf9: {  	[tilespmem:v11+s24+$0x0] =	vst.idx.msk $0xffff, v1  }
0xfa: {  	[tilespmem:v12+s24+$0x0] =	vst.idx.msk $0xffff, v1  }
0xfb: {  	[tilespmem:v13+s24+$0x0] =	vst.idx.msk $0xffff, v1  }
0xfc: {  	[tilespmem:v7+s24+$0x0] =	vst.idx.msk $0xffff, v1  }
0xfd: {  	[tilespmem:v8+s24+$0x0] =	vst.idx.msk $0xffff, v1  }
.LBB2_7:
0xfe: {  	v7 =	vmov s26  }
0xff: {  	v8 =	vor.u32 s26, v0;
	v9 =	vshll.u32 v7, $0x3  }
0x100: {  	v8 =	vand.u32 $0x7F, v8;
	v7 =	vand.u32 $0x400, v9  }
0x101: {  	v7 =	vor.u32 v7, v8  }
0x102: {  	v10 =	vor.u32 $0x1180, v7  }
0x103: {  	v11 =	vor.u32 $0x1100, v7  }
0x104: {  	v12 =	vor.u32 $0x1080, v7  }
0x105: {  	v8 =	vor.u32 v9, v8;
	v13 =	vor.u32 $0x1000, v7  }
0x106: {  	v9 =	vor.u32 $0xB80, v8  }
0x107: {  	v54 =	vor.u32 $0xB00, v7;
	v14 =	vld.idx.msk [tilespmem:v10+s5+$0x0], $0xffff  }
0x108: {  	v55 =	vor.u32 $0xA80, v7;
	v15 =	vld.idx.msk [tilespmem:v11+s5+$0x0], $0xffff  }
0x109: {  	v56 =	vor.u32 $0xA00, v7;
	v16 =	vld.idx.msk [tilespmem:v12+s5+$0x0], $0xffff  }
0x10a: {  	v57 =	vor.u32 $0x980, v7;
	v17 =	vld.idx.msk [tilespmem:v13+s5+$0x0], $0xffff  }
0x10b: {  	v58 =	vor.u32 $0x900, v7;
	v18 =	vld.idx.msk [tilespmem:v9+s5+$0x0], $0xffff  }
0x10c: {  	v59 =	vor.u32 $0x880, v7;
	v19 =	vld.idx.msk [tilespmem:v54+s5+$0x0], $0xffff  }
0x10d: {  	v60 =	vor.u32 $0x800, v7;
	v20 =	vld.idx.msk [tilespmem:v55+s5+$0x0], $0xffff  }
0x10e: {  	v8 =	vor.u32 $0x380, v8;
	v21 =	vld.idx.msk [tilespmem:v56+s5+$0x0], $0xffff  }
0x10f: {  	v61 =	vor.u32 $0x300, v7;
	v22 =	vld.idx.msk [tilespmem:v57+s5+$0x0], $0xffff  }
0x110: {  	v62 =	vor.u32 $0x280, v7;
	v23 =	vld.idx.msk [tilespmem:v58+s5+$0x0], $0xffff  }
0x111: {  	v25 =	vor.u32 $0x180, v7;
	v26 =	vld.idx.msk [tilespmem:v59+s5+$0x0], $0xffff  }
0x112: {  	v29 =	vld.idx.msk [tilespmem:v60+s5+$0x0], $0xffff  }
0x113: {  	v30 =	vld.idx.msk [tilespmem:v8+s5+$0x0], $0xffff  }
0x114: {  	v49 =	vimm.s32 $0x0;
	v24 =	vor.u32 $0x200, v7;
	v33 =	vld.idx.msk [tilespmem:v61+s5+$0x0], $0xffff  }
0x115: {  	v27 =	vor.u32 $0x100, v7;
	v28 =	vor.u32 $0x80, v7;
	v12 =	vld.idx.msk [tilespmem:v62+s5+$0x0], $0xffff;
	vm0 =	vne.s32 v14, $0x0  }
0x116: {  	v8 =	vld.idx.msk [tilespmem:v25+s5+$0x0], $0xffff;
	vm15 =	vne.s32 v15, $0x0;
	vm13 =	vne.s32 v16, $0x0;
	vm14 =	vne.s32 v17, $0x0  }
0x117: {  	vm12 =	vne.s32 v18, $0x0;
	vm10 =	vne.s32 v19, $0x0;
	vm11 =	vne.s32 v20, $0x0  }
0x118: {  	vm9 =	vne.s32 v21, $0x0;
	vm7 =	vne.s32 v22, $0x0;
	vm8 =	vne.s32 v23, $0x0  }
0x119: {  	vm6 =	vne.s32 v26, $0x0;
	vm5 =	vne.s32 v29, $0x0;
	vm4 =	vne.s32 v30, $0x0  }
0x11a: {  	vm3 =	vne.s32 v33, $0x0;
	vm1 =	vne.s32 v12, $0x0;
	v44 =	vshll.u32 v14, $0x3  }
0x11b: {  	vm2 =	vne.s32 v8, $0x0;
	v45 =	vshll.u32 v15, $0x3;
	v14 =	vand.u32 $0x7F, v14  }
0x11c: {  	v15 =	vand.u32 $0x7F, v15;
	v46 =	vshll.u32 v16, $0x3;
	v16 =	vand.u32 $0x7F, v16  }
0x11d: {  	v51 =	vshll.u32 v17, $0x3;
	v17 =	vand.u32 $0x7F, v17;
	v52 =	vshll.u32 v18, $0x3  }
0x11e: {  	v18 =	vand.u32 $0x7F, v18;
	v53 =	vshll.u32 v19, $0x3;
	v19 =	vand.u32 $0x7F, v19  }
0x11f: {  	v55 =	vshll.u32 v20, $0x3;
	v20 =	vand.u32 $0x7F, v20;
	v56 =	vshll.u32 v21, $0x3  }
0x120: {  	v21 =	vand.u32 $0x7F, v21;
	v57 =	vshll.u32 v22, $0x3;
	v22 =	vand.u32 $0x7F, v22  }
0x121: {  	v59 =	vshll.u32 v23, $0x3;
	v23 =	vand.u32 $0x7F, v23;
	v60 =	vshll.u32 v26, $0x3  }
0x122: {  	v26 =	vand.u32 $0x7F, v26;
	v61 =	vshll.u32 v29, $0x3;
	v29 =	vand.u32 $0x7F, v29  }
0x123: {  	v10 =	vld.idx.msk [tilespmem:v24+s5+$0x0], $0xffff;
	v9 =	vnsel vm0, $0x3F800000, v5;
	v31 =	vnsel vm15, $0x3F800000, v5;
	v32 =	vnsel vm13, $0x3F800000, v5  }
0x124: {  	v34 =	vnsel vm14, $0x3F800000, v5;
	v35 =	vnsel vm12, $0x3F800000, v5;
	v36 =	vnsel vm10, $0x3F800000, v5  }
0x125: {  	v28 =	vld.idx.msk [tilespmem:v28+s5+$0x0], $0xffff;
	v63 =	vnsel vm11, $0x3F800000, v5;
	v48 =	vnsel vm9, $0x3F800000, v5;
	v37 =	vnsel vm7, $0x3F800000, v5  }
0x126: {  	v38 =	vnsel vm8, $0x3F800000, v5;
	v39 =	vnsel vm6, $0x3F800000, v5;
	v40 =	vnsel vm5, $0x3F800000, v5  }
0x127: {  	v41 =	vnsel vm4, $0x3F800000, v5;
	v11 =	vsel vm1, $0xFFFFFFFF, v49;
	v42 =	vnsel vm3, $0x3F800000, v5  }
0x128: {  	v43 =	vnsel vm1, $0x3F800000, v5;
	vm1 =	vne.s32 v10, $0x0;
	v44 =	vand.u32 $0xFFFFFC00, v44  }
0x129: {  	v45 =	vand.u32 $0xFFFFFC00, v45;
	v50 =	vand.u32 $0xFFFFFC00, v46;
	v54 =	vand.u32 $0xFFFFFC00, v53  }
0x12a: {  	v58 =	vand.u32 $0xFFFFFC00, v57;
	v62 =	vand.u32 $0xFFFFFC00, v61;
	v61 =	vand.u32 $0x7F, v28  }
0x12b: {  	[tilespmem:$0x1FFF0] =	vst v11;
	v13 =	vnsel vm1, $0x3F800000, v5;
	v11 =	vnsel vm2, $0x3F800000, v5;
	v44 =	vadd.s32 v6, v44  }
0x12c: {  	v45 =	vadd.s32 v6, v45;
	v31 =	vmul.f32 v31, v9;
	v14 =	vor.u32 v14, v44  }
0x12d: {  	v15 =	vor.u32 v15, v45;
	v44 =	vadd.s32 v6, v50;
	v45 =	vand.u32 $0xFFFFFC00, v52  }
0x12e: {  	v27 =	vld.idx.msk [tilespmem:v27+s5+$0x0], $0xffff;
	v50 =	vshll.u32 v12, $0x3;
	v52 =	vshll.u32 v10, $0x3;
	v12 =	vand.u32 $0x7F, v12  }
0x12f: {  	v10 =	vand.u32 $0x7F, v10;
	v14 =	vor.u32 v3, v14;
	v15 =	vor.u32 v3, v15  }
0x130: {  	v16 =	vor.u32 v16, v44;
	v32 =	vmul.f32 v32, v31;
	v44 =	vand.u32 $0xFFFFFC00, v51  }
0x131: {  	v45 =	vadd.s32 v6, v45;
	v51 =	vand.u32 $0xFFFFFC00, v50;
	v16 =	vor.u32 v3, v16  }
0x132: {  	v7 =	vld.idx.msk [tilespmem:v7+s5+$0x0], $0xffff;
	v44 =	vadd.s32 v6, v44;
	v18 =	vor.u32 v18, v45;
	v45 =	vand.u32 $0xFFFFFC00, v56  }
0x133: {  	v56 =	vshll.u32 v27, $0x3;
	v34 =	vmul.f32 v34, v32;
	v17 =	vor.u32 v17, v44  }
0x134: {  	v44 =	vadd.s32 v6, v54;
	v18 =	vor.u32 v3, v18;
	v45 =	vadd.s32 v6, v45  }
0x135: {  	v54 =	vshll.u32 v8, $0x3;
	v8 =	vand.u32 $0x7F, v8;
	v17 =	vor.u32 v3, v17  }
0x136: {  	v19 =	vor.u32 v19, v44;
	v44 =	vand.u32 $0xFFFFFC00, v55;
	v21 =	vor.u32 v21, v45  }
0x137: {  	v45 =	vand.u32 $0xFFFFFC00, v60;
	v60 =	vshll.u32 v7, $0x3;
	v35 =	vmul.f32 v35, v34  }
0x138: {  	v19 =	vor.u32 v3, v19;
	v44 =	vadd.s32 v6, v44;
	v21 =	vor.u32 v3, v21  }
0x139: {  	v45 =	vadd.s32 v6, v45;
	v20 =	vor.u32 v20, v44;
	v36 =	vmul.f32 v36, v35  }
0x13a: {  	v44 =	vadd.s32 v6, v58;
	v26 =	vor.u32 v26, v45;
	v20 =	vor.u32 v3, v20  }
0x13b: {  	[tilespmem:v14+s24+$0x0] =	vst.idx.add.f32.msk vm0, v4;
	v22 =	vor.u32 v22, v44;
	v44 =	vand.u32 $0xFFFFFC00, v59;
	v24 =	vmul.f32 v63, v36  }
0x13c: {  	v26 =	vor.u32 v3, v26;
	[tilespmem:v15+s24+$0x0] =	vst.idx.add.f32.msk vm15, v9;
	v9 =	vadd.s32 v6, v51;
	v15 =	vand.u32 $0xFFFFFC00, v52  }
0x13d: {  	v59 =	vshll.u32 v28, $0x3;
	v22 =	vor.u32 v3, v22;
	v25 =	vmul.f32 v48, v24  }
0x13e: {  	v44 =	vadd.s32 v6, v44;
	v9 =	vor.u32 v12, v9;
	v53 =	vadd.s32 v6, v15  }
0x13f: {  	[tilespmem:v16+s24+$0x0] =	vst.idx.add.f32.msk vm13, v31;
	v12 =	vand.u32 $0xFFFFFC00, v54;
	v16 =	vand.u32 $0xFFFFFC00, v59;
	v37 =	vmul.f32 v37, v25  }
0x140: {  	vm13 =	vne.s32 v7, $0x0;
	v23 =	vor.u32 v23, v44;
	v44 =	vadd.s32 v6, v62  }
0x141: {  	v63 =	vshll.u32 v30, $0x3;
	v30 =	vand.u32 $0x7F, v30;
	v38 =	vmul.f32 v38, v37  }
0x142: {  	v9 =	vor.u32 v3, v9;
	v10 =	vor.u32 v10, v53;
	v12 =	vadd.s32 v6, v12  }
0x143: {  	v16 =	vadd.s32 v6, v16;
	v62 =	vand.u32 $0x7F, v7;
	v39 =	vmul.f32 v39, v38  }
0x144: {  	[tilespmem:v17+s24+$0x0] =	vst.idx.add.f32.msk vm14, v32;
	v23 =	vor.u32 v3, v23;
	v29 =	vor.u32 v29, v44;
	v44 =	vand.u32 $0xFFFFFC00, v63  }
0x145: {  	v7 =	vld [tilespmem:$0x1FFF0];
	v10 =	vor.u32 v3, v10;
	v8 =	vor.u32 v8, v12;
	v40 =	vmul.f32 v40, v39  }
0x146: {  	[tilespmem:v18+s24+$0x0] =	vst.idx.add.f32.msk vm12, v34;
	v48 =	vshll.u32 v33, $0x3;
	v44 =	vadd.s32 v6, v44;
	v29 =	vor.u32 v3, v29  }
0x147: {  	[tilespmem:v19+s24+$0x0] =	vst.idx.add.f32.msk vm10, v35;
	v45 =	vand.u32 $0xFFFFFC00, v48;
	v30 =	vor.u32 v30, v44;
	v41 =	vmul.f32 v41, v40  }
0x148: {  	v33 =	vand.u32 $0x7F, v33;
	[tilespmem:v20+s24+$0x0] =	vst.idx.add.f32.msk vm11, v36;
	v45 =	vadd.s32 v6, v45;
	v30 =	vor.u32 v3, v30  }
0x149: {  	v57 =	vand.u32 $0xFFFFFC00, v56;
	[tilespmem:v21+s24+$0x0] =	vst.idx.add.f32.msk vm9, v24;
	v33 =	vor.u32 v33, v45;
	v49 =	vmul.f32 v42, v41  }
0x14a: {  	v12 =	vadd.s32 v6, v57;
	[tilespmem:v22+s24+$0x0] =	vst.idx.add.f32.msk vm7, v25;
	vm14 =	vnez.u8 v7;
	v33 =	vor.u32 v3, v33  }
0x14b: {  	v58 =	vand.u32 $0x7F, v27;
	v16 =	vor.u32 v61, v16;
	[tilespmem:v23+s24+$0x0] =	vst.idx.add.f32.msk vm8, v37;
	v55 =	vmul.f32 v43, v49  }
0x14c: {  	vm0 =	vne.s32 v27, $0x0;
	v8 =	vor.u32 v3, v8;
	v12 =	vor.u32 v58, v12;
	[tilespmem:v26+s24+$0x0] =	vst.idx.add.f32.msk vm6, v38  }
0x14d: {  	v17 =	vand.u32 $0xFFFFFC00, v60;
	v16 =	vor.u32 v3, v16;
	[tilespmem:v29+s24+$0x0] =	vst.idx.add.f32.msk vm5, v39;
	v13 =	vmul.f32 v13, v55  }
0x14e: {  	vm15 =	vne.s32 v28, $0x0;
	v12 =	vor.u32 v3, v12;
	v6 =	vadd.s32 v6, v17;
	[tilespmem:v30+s24+$0x0] =	vst.idx.add.f32.msk vm4, v40  }
0x14f: {  	v6 =	vor.u32 v62, v6;
	[tilespmem:v33+s24+$0x0] =	vst.idx.add.f32.msk vm3, v41;
	v11 =	vmul.f32 v11, v13  }
0x150: {  	v7 =	vnsel vm0, $0x3F800000, v5;
	v6 =	vor.u32 v3, v6;
	[tilespmem:v9+s24+$0x0] =	vst.idx.add.f32.msk vm14, v49  }
0x151: {  	s26 =	sadd.s32 $0x10, s26;
	[tilespmem:v10+s24+$0x0] =	vst.idx.add.f32.msk vm1, v55;
	v7 =	vmul.f32 v7, v11  }
0x152: {  	p1 =	sne.s32 s26, $0x100;
	v63 =	vnsel vm15, $0x3F800000, v5;
	[tilespmem:v8+s24+$0x0] =	vst.idx.add.f32.msk vm2, v13  }
.Ltmp4:
0x153: {  	[tilespmem:v12+s24+$0x0] =	vst.idx.add.f32.msk vm0, v11;
	v8 =	vmul.f32 v63, v7;
	(pc) =	sbr.rel @!p1 .LBB2_8-.Ltmp4, $4  }
0x154: {  	s30 =	sshll.u32 s30, $0xC;
	[tilespmem:v16+s24+$0x0] =	vst.idx.add.f32.msk vm15, v7  }
0x155: {  	s30 =	sadd.s32 $0x1900, s30;
	[tilespmem:v6+s24+$0x0] =	vst.idx.add.f32.msk vm13, v8  }
0x156: {  	[hbm4b:s28+s5] =	stream.linear.scatter [tilespmem:s30], [sflag:$0x1], $0x1000, $0x38;
	[tilespmem:$0x5900] =	vst v63  }
0x157: {  	s29 =	sadd.s32 $0x1, s29;
	s28 =	sadd.s32 $0x200, s28  }
.LBB2_4:
0x158: {  	p1 =	sgt.u32 s29, $0x3  }
.Ltmp5:
0x159: {  	_ = 	snop;
	(pc) =	sbr.rel @p1 .LBB2_6-.Ltmp5, $3  }
0x15a: {  	_ =	sdelay $0x1  }
0x15b: {  	s30 =	sand.u32 $0x3, s29  }
0x15c: {  	v6 =	vmov s30  }
.Ltmp6:
0x15d: {  	(pc) =	sbr.rel .LBB2_7-.Ltmp6, $3  }
0x15e: {  	_ =	sdelay $0x1  }
0x15f: {  	v6 =	vshll.u32 v6, $0xC  }
0x160: {  	v6 =	vor.u32 v2, v6  }
.LBB2_9:
0x161: {  	_ =	sfence.sel $0x180000  }
0x162: {  	[bflag:$0x0] =	sbarrier.arrive $0xFFFF  }
0x163: {  	p0 =	sne.s32 s0, $0x0;
	_ =	strace $0x90000047  }
0x164: {  	s0 =	sadd.s32 @!p0 $0x100000, s3;
	[bflag:$0x2] =	sbarrier.arrive $0xFFFF  }
0x165: {  	[sflag:s0] =	ssyncadd.tile.s32 @!p0 $0x1;
	_ =	shalt  }
.Lfunc_end2:
_tile_overlayer_lowered:
.L_overlay_start_2:
0x166: {  	(tag) =	ssettag $0x2  }
0x167: {  	s0 =	rddreg [dreg:$0x0];
	s2 =	stileid.u32  }
0x168: {  	s1 =	rddreg [dreg:$0x1];
	p0 =	sne.s32 s2, $0x0  }
0x169: {  	s3 =	rddreg [dreg:$0x2];
	[bflag:$0x3] =	sbarrier.arrive $0xFFFF;
	s2 =	simm.s32 @!p0 $0x1C02  }
0x16a: {  	[timem:s3], [sflag:s2] =	dma.local @!p0 [hbm:s0], s1  }
0x16b: {  	s0 =	simm.s32 @!p0 $0x2  }
0x16c: {  	_ =	swait.ge @!p0 [sflag:s0], s1  }
0x16d: {  	s1 =	ssub.s32 @!p0 $0x0, s1;
	[sflag:s0] =	ssyncset.done @!p0 $0x0  }
0x16e: {  	[sflag:s0] =	ssyncadd.s32 @!p0 s1  }
0x16f: {  	[bflag:$0x3] =	sbarrier.arrive $0xFFFF  }
0x170: {  	_ =	shalt  }

</sc_bundles>
